<compile_context>
chip_gen: v7x
topology: tpu7x:2x2x1
jax: 0.10.2.dev20260603
libtpu: 0.0.44.dev20260713+nightly
codegen_flags: <defaults>
</compile_context>

<pallas_src>
import functools

import jax
import jax.numpy as jnp
import numpy as np
from jax import lax
from jax.experimental import pallas as pl
from jax.experimental.pallas import tpu as pltpu
from jax.experimental.pallas import tpu_sc as plsc

B = 1
S = 2048
T = 2048
H = 768
E = 16
F = 1024
TT = 128
NT = 32
PAD = NT * TT
NW = 32


def _gelu_exact(v):
    a = jnp.abs(v) * np.float32(0.7071067811865476)
    t = 1.0 / (1.0 + np.float32(0.3275911) * a)
    poly = t * (np.float32(0.254829592) + t * (np.float32(-0.284496736)
            + t * (np.float32(1.421413741) + t * (np.float32(-1.453152027)
            + t * np.float32(1.061405429)))))
    erf_a = 1.0 - poly * jnp.exp(-a * a)
    erf_v = jnp.where(v >= 0, erf_a, -erf_a)
    return np.float32(0.5) * v * (1.0 + erf_v)


def _router_body(x_ref, wg_ref, logits_ref, dest_ref, w_ref, te_ref):
    x = x_ref[...]
    wg = wg_ref[...]
    logits = jnp.dot(x, wg, preferred_element_type=jnp.float32)
    logits_ref[...] = logits
    m = jnp.max(logits, axis=1, keepdims=True)
    denom = jnp.sum(jnp.exp(logits - m), axis=1, keepdims=True)
    w_ref[...] = 1.0 / denom
    col = jax.lax.broadcasted_iota(jnp.int32, (T, E), 1)
    eid = jnp.min(jnp.where(logits == m, col, E), axis=1, keepdims=True)
    onehot = (col == eid).astype(jnp.float32)
    r = jax.lax.broadcasted_iota(jnp.int32, (TT, TT), 0)
    c = jax.lax.broadcasted_iota(jnp.int32, (TT, TT), 1)
    tril = (c <= r).astype(jnp.float32)
    blocks = []
    running = jnp.zeros((1, E), jnp.float32)
    for i in range(T // TT):
        csb = jnp.dot(tril, onehot[i * TT:(i + 1) * TT, :],
                      preferred_element_type=jnp.float32) + running
        running = csb[TT - 1:TT, :]
        blocks.append(csb)
    cs = jnp.concatenate(blocks, axis=0)
    counts = running
    padded = jnp.ceil(counts / TT) * TT
    er = jax.lax.broadcasted_iota(jnp.int32, (E, E), 0)
    ec = jax.lax.broadcasted_iota(jnp.int32, (E, E), 1)
    strict = (er < ec).astype(jnp.float32)
    base = jnp.dot(padded, strict, preferred_element_type=jnp.float32)
    pos = jnp.sum(onehot * cs, axis=1, keepdims=True) - 1.0
    tok_base = jnp.sum(onehot * base, axis=1, keepdims=True)
    dest_ref[...] = (tok_base + pos).astype(jnp.int32)
    ti = jax.lax.broadcasted_iota(jnp.int32, (NT, E), 0).astype(jnp.float32) * np.float32(TT)
    ecol = jax.lax.broadcasted_iota(jnp.int32, (NT, E), 1)
    active = jnp.logical_and(ti >= base, ti < base + padded)
    emax = jnp.max(jnp.where(padded > 0, ecol[:1, :], 0), axis=1, keepdims=True)
    te = jnp.sum(jnp.where(active, ecol, 0), axis=1, keepdims=True)
    any_active = jnp.sum(jnp.where(active, 1, 0), axis=1, keepdims=True) > 0
    na = (jnp.sum(padded, axis=1, keepdims=True) / np.float32(TT)).astype(jnp.int32)
    te_ref[...] = jnp.concatenate(
        [jnp.where(any_active, te, emax), na, na], axis=0)


def _router(x2d, w_gate):
    return pl.pallas_call(
        _router_body,
        out_shape=(
            jax.ShapeDtypeStruct((T, E), jnp.float32),
            jax.ShapeDtypeStruct((T, 1), jnp.int32),
            jax.ShapeDtypeStruct((T, 1), jnp.float32),
            jax.ShapeDtypeStruct((NT + 2, 1), jnp.int32),
        ),
    )(x2d, w_gate)


@functools.cache
def _sc_kernels():
    mesh = plsc.VectorSubcoreMesh(core_axis_name="c", subcore_axis_name="s")

    rpt = PAD // NW
    ch = 64
    nch = rpt // ch

    @functools.partial(
        pl.kernel,
        out_type=(
            jax.ShapeDtypeStruct((PAD, H), jnp.float32),
            jax.ShapeDtypeStruct((PAD,), jnp.float32),
        ),
        mesh=mesh,
        scratch_types=[
            pltpu.VMEM((T,), jnp.int32),
            pltpu.VMEM((T,), jnp.float32),
            pltpu.VMEM((PAD,), jnp.int32),
            pltpu.VMEM((PAD,), jnp.float32),
            pltpu.VMEM((rpt, H), jnp.float32),
            [pltpu.SemaphoreType.DMA] * nch,
        ],
        compiler_params=pltpu.CompilerParams(needs_layout_passes=False),
        name="sc_sort_gather",
    )
    def sc_sort_gather(x_hbm, dest_hbm, w_hbm, xs_hbm, ws_hbm,
                       dest_v, w_v, src_v, ws_v, rows_v, sems):
        wid = lax.axis_index("s") * 2 + lax.axis_index("c")
        base = wid * rpt
        lane = lax.broadcasted_iota(jnp.int32, (16,), 0)
        pltpu.sync_copy(dest_hbm, dest_v)

        @plsc.parallel_loop(0, PAD // 16, unroll=8)
        def _init(i):
            src_v[pl.ds(i * 16, 16)] = lane + (i & (T // 16 - 1)) * 16

        @plsc.parallel_loop(0, T // 16, unroll=8)
        def _scat(i):
            idx = dest_v[pl.ds(i * 16, 16)]
            plsc.store_scatter(src_v, [idx], lane + i * 16)

        copies = [
            pltpu.async_copy(
                x_hbm.at[src_v.at[pl.ds(base + j * ch, ch)]],
                rows_v.at[pl.ds(j * ch, ch)], sems[j])
            for j in range(nch)
        ]

        @pl.when(wid == 0)
        def _():
            pltpu.sync_copy(w_hbm, w_v)

            @plsc.parallel_loop(0, T // 16, unroll=8)
            def _scat_w(i):
                idx = dest_v[pl.ds(i * 16, 16)]
                plsc.store_scatter(ws_v, [idx], w_v[pl.ds(i * 16, 16)])

            pltpu.sync_copy(ws_v, ws_hbm)

        for j in range(nch):
            copies[j].wait()
            pltpu.sync_copy(rows_v.at[pl.ds(j * ch, ch)],
                            xs_hbm.at[pl.ds(base + j * ch, ch)])

    def make_row_gather(n_rows, n_table, clamp, name):
        rpt = n_rows // NW
        ch = 64
        nch = rpt // ch

        @functools.partial(
            pl.kernel,
            out_type=jax.ShapeDtypeStruct((n_rows, H), jnp.float32),
            mesh=mesh,
            scratch_types=[
                pltpu.VMEM((rpt,), jnp.int32),
                pltpu.VMEM((rpt, H), jnp.float32),
                [pltpu.SemaphoreType.DMA] * nch,
            ],
            name=name,
        )
        def k(table_hbm, idx_hbm, out_hbm, idx_v, rows_v, sems):
            wid = lax.axis_index("s") * 2 + lax.axis_index("c")
            base = wid * rpt
            pltpu.sync_copy(idx_hbm.at[pl.ds(base, rpt)], idx_v)
            if clamp:
                for j in range(rpt // 16):
                    v = idx_v[pl.ds(j * 16, 16)]
                    idx_v[pl.ds(j * 16, 16)] = jnp.minimum(
                        jnp.maximum(v, 0), n_table - 1)
            copies = [
                pltpu.async_copy(
                    table_hbm.at[idx_v.at[pl.ds(j * ch, ch)]],
                    rows_v.at[pl.ds(j * ch, ch)], sems[j])
                for j in range(nch)
            ]
            for j in range(nch):
                copies[j].wait()
                pltpu.sync_copy(rows_v.at[pl.ds(j * ch, ch)],
                                out_hbm.at[pl.ds(base + j * ch, ch)])

        return k

    return sc_sort_gather, make_row_gather(T, PAD, False, "sc_gather_tok")


def _group_body(te_ref, xs_ref, w1_ref, w2_ref, ws_ref, out_ref):
    @pl.when(pl.program_id(0) < te_ref[NT])
    def _():
        h = _gelu_exact(jnp.dot(xs_ref[...].astype(jnp.bfloat16),
                                w1_ref[0].astype(jnp.bfloat16),
                                preferred_element_type=jnp.float32))
        y = jnp.dot(h.astype(jnp.bfloat16), w2_ref[0].astype(jnp.bfloat16),
                    preferred_element_type=jnp.float32)
        out_ref[...] = y * ws_ref[...]


def _grouped_mlp(te, xs, w_fc1, w_fc2, ws_col):
    grid_spec = pltpu.PrefetchScalarGridSpec(
        num_scalar_prefetch=1,
        grid=(NT,),
        in_specs=[
            pl.BlockSpec((TT, H), lambda i, te_r: (jnp.minimum(i, te_r[NT] - 1), 0)),
            pl.BlockSpec((1, H, F), lambda i, te_r: (te_r[i], 0, 0)),
            pl.BlockSpec((1, F, H), lambda i, te_r: (te_r[i], 0, 0)),
            pl.BlockSpec((TT, 1), lambda i, te_r: (jnp.minimum(i, te_r[NT] - 1), 0)),
        ],
        out_specs=pl.BlockSpec(
            (TT, H), lambda i, te_r: (jnp.minimum(i, te_r[NT] - 1), 0)),
    )
    return pl.pallas_call(
        _group_body,
        grid_spec=grid_spec,
        out_shape=jax.ShapeDtypeStruct((PAD, H), jnp.float32),
    )(te, xs, w_fc1, w_fc2, ws_col)


def kernel(hidden_states, w_gate, w_fc1, w_fc2):
    x2d = hidden_states.reshape(T, H)
    sc_sort_gather, sc_gather_tok = _sc_kernels()
    logits, dest, w, te = _router(x2d, w_gate)
    dest1 = dest.reshape(T)
    xs, ws = sc_sort_gather(x2d, dest1, w.reshape(T))
    ys = _grouped_mlp(te.reshape(NT + 2), xs, w_fc1, w_fc2, ws.reshape(PAD, 1))
    out2d = sc_gather_tok(ys, dest1)
    return out2d.reshape(B, S, H), logits

# --- scband reference (transcript-rebuilt; emitter-appended) ---
"""Pipeline reference for scband-sparse-mo-e-27925877359122 (READ-ONLY COPY).

The authoritative reference and input builder live on the scoring server;
editing this copy changes nothing except your own understanding.
"""

import jax, jax.numpy as jnp
import numpy as np

B = 1
S = 2048
HIDDEN = 768
EXPERTS = 16
TOPK = 1
FF = 1024


def setup_inputs(seed: int = 0) -> dict:
    key = jax.random.key(seed)
    k0, k1, k2, k3 = jax.random.split(key, 4)
    hidden_states = jax.random.normal(k0, (B, S, HIDDEN), dtype=jnp.float32)
    w_gate = jax.random.normal(k1, (HIDDEN, EXPERTS), dtype=jnp.float32) * 0.02
    w_fc1 = jax.random.normal(k2, (EXPERTS, HIDDEN, FF), dtype=jnp.float32) * 0.02
    w_fc2 = jax.random.normal(k3, (EXPERTS, FF, HIDDEN), dtype=jnp.float32) * 0.02
    return {"hidden_states": hidden_states, "w_gate": w_gate, "w_fc1": w_fc1, "w_fc2": w_fc2}


def _moe_forward(hidden_states, w_gate, w_fc1, w_fc2):
    bsz, seqlen, h = hidden_states.shape
    x = hidden_states.reshape(-1, h)
    T = x.shape[0]
    # router
    router_logits = x @ w_gate  # [T, E]
    probs = jax.nn.softmax(router_logits.astype(jnp.float32), axis=-1)
    # top_k == 1 -> max; lax.top_k(probs, 1) is equivalent
    routing_weights, selected_experts = jax.lax.top_k(probs, TOPK)  # [T, K]
    # normalize_expert_weights = False -> skip normalization
    routing_weights = routing_weights.astype(x.dtype)
    # dense combine weights [T, E]; zero for unselected experts (scatter-add)
    combine = jnp.zeros((T, EXPERTS), dtype=x.dtype).at[
        jnp.arange(T)[:, None], selected_experts
    ].add(routing_weights)
    # per-expert MLP applied to all tokens, masked/weighted by combine
    # (mathematically identical to the gather -> expert -> index_add_ loop)
    h1 = jnp.einsum('td,edf->etf', x, w_fc1)
    h1 = jax.nn.gelu(h1, approximate=False)
    h2 = jnp.einsum('etf,efh->eth', h1, w_fc2)
    out = jnp.einsum('eth,te->th', h2, combine)
    return out.reshape(bsz, seqlen, h), router_logits


def reference(hidden_states, w_gate, w_fc1, w_fc2):
    return _moe_forward(hidden_states, w_gate, w_fc1, w_fc2)

if __name__ == "__main__":
    import jax
    _d = setup_inputs()
    print(jax.jit(kernel)(*tuple(_d.values())))

</pallas_src>

<mosaic_0001>
#map = affine_map<(d0, d1) -> (0, 0)>
#map1 = affine_map<(d0, d1) -> (0)>
module attributes {stable_mosaic.version = 14 : i64} {
  func.func @sc_gather_tok(%arg0: i32, %arg1: i32, %arg2: memref<4096x768xf32, #tpu.memory_space<hbm>>, %arg3: memref<2048xi32, #tpu.memory_space<hbm>>, %arg4: memref<2048x768xf32, #tpu.memory_space<hbm>>, %arg5: memref<64xi32, #tpu.memory_space<vmem>>, %arg6: memref<64x768xf32, #tpu.memory_space<vmem>>, %arg7: memref<!tpu.dma_semaphore, #tpu.memory_space<semaphore_mem>>) attributes {dimension_semantics = [#tpu.dimension_semantics<core_parallel>, #tpu.dimension_semantics<subcore_parallel>], iteration_bounds = array<i64: 2, 16>, scalar_prefetch = 0 : i64, scratch_operands = 3 : i64, tpu.core_type = #tpu.core_type<sc_vector_subcore>, window_params = [{transform_indices = #map}, {transform_indices = #map1}, {transform_indices = #map}]} {
    %mul3A = arith.constant 2 : i32
    %mul3A_0 = arith.muli %arg1, %mul3A : i32
    %add3A = arith.addi %mul3A_0, %arg0 : i32
    %mul3A_1 = arith.constant 64 : i32
    %mul3A_2 = arith.muli %add3A, %mul3A_1 : i32
    "tpu.region"() ({
      %run_scoped3A = tpu.sem_alloc : memref<!tpu.dma_semaphore, #tpu.memory_space<semaphore_mem>>
      %dma_start3A_19 = tpu.memref_slice %arg3[%mul3A_2] : memref<2048xi32, #tpu.memory_space<hbm>> -> memref<64xi32, #tpu.memory_space<hbm>>
      %dma_start3A_20 = tpu.memref_slice %arg3[%mul3A_2] : memref<2048xi32, #tpu.memory_space<hbm>> -> memref<64xi32, #tpu.memory_space<hbm>>
      tpu.enqueue_dma source(%dma_start3A_20 : memref<64xi32, #tpu.memory_space<hbm>>) target(%arg5 : memref<64xi32, #tpu.memory_space<vmem>>) target_semaphore(%run_scoped3A : memref<!tpu.dma_semaphore, #tpu.memory_space<semaphore_mem>>)
      %dma_wait3A_21 = tpu.memref_slice %arg3[%mul3A_2] : memref<2048xi32, #tpu.memory_space<hbm>> -> memref<64xi32, #tpu.memory_space<hbm>>
      %dma_wait3A_22 = tpu.memref_slice %arg3[%mul3A_2] : memref<2048xi32, #tpu.memory_space<hbm>> -> memref<64xi32, #tpu.memory_space<hbm>>
      tpu.wait_dma2 semaphore(%run_scoped3A : memref<!tpu.dma_semaphore, #tpu.memory_space<semaphore_mem>>) src(%dma_wait3A_22 : memref<64xi32, #tpu.memory_space<hbm>>) dst(%arg5 : memref<64xi32, #tpu.memory_space<vmem>>)
      tpu.yield
    }) : () -> ()
    %dma_start3A = arith.constant 0 : i32
    %dma_start3A_3 = arith.constant 0 : i32
    %dma_start3A_4 = tpu.memref_slice %arg6[%dma_start3A, %dma_start3A_3] : memref<64x768xf32, #tpu.memory_space<vmem>> -> memref<64x768xf32, #tpu.memory_space<vmem>>
    %dma_start3A_5 = arith.constant 0 : i32
    %dma_start3A_6 = tpu.memref_slice %arg5[%dma_start3A_5] : memref<64xi32, #tpu.memory_space<vmem>> -> memref<64xi32, #tpu.memory_space<vmem>>
    %dma_start3A_7 = arith.constant 0 : i32
    %dma_start3A_8 = arith.constant 0 : i32
    %dma_start3A_9 = tpu.memref_slice %arg2[%dma_start3A_7, %dma_start3A_8] : memref<4096x768xf32, #tpu.memory_space<hbm>> -> memref<4096x768xf32, #tpu.memory_space<hbm>>
    tpu.enqueue_indirect_dma source(%dma_start3A_9 : memref<4096x768xf32, #tpu.memory_space<hbm>>) target(%dma_start3A_4 : memref<64x768xf32, #tpu.memory_space<vmem>>) offsets(%dma_start3A_6 : memref<64xi32, #tpu.memory_space<vmem>>) semaphore(%arg7 : memref<!tpu.dma_semaphore, #tpu.memory_space<semaphore_mem>>)
    %dma_wait3A = arith.constant 0 : i32
    %dma_wait3A_10 = arith.constant 0 : i32
    %dma_wait3A_11 = tpu.memref_slice %arg6[%dma_wait3A, %dma_wait3A_10] : memref<64x768xf32, #tpu.memory_space<vmem>> -> memref<64x768xf32, #tpu.memory_space<vmem>>
    %dma_wait3A_12 = arith.constant 0 : i32
    %dma_wait3A_13 = tpu.memref_slice %arg5[%dma_wait3A_12] : memref<64xi32, #tpu.memory_space<vmem>> -> memref<64xi32, #tpu.memory_space<vmem>>
    %dma_wait3A_14 = arith.constant 0 : i32
    %dma_wait3A_15 = arith.constant 0 : i32
    %dma_wait3A_16 = tpu.memref_slice %arg2[%dma_wait3A_14, %dma_wait3A_15] : memref<4096x768xf32, #tpu.memory_space<hbm>> -> memref<4096x768xf32, #tpu.memory_space<hbm>>
    tpu.wait_indirect_dma semaphore(%arg7 : memref<!tpu.dma_semaphore, #tpu.memory_space<semaphore_mem>>) src(%dma_wait3A_16 : memref<4096x768xf32, #tpu.memory_space<hbm>>) dst(%dma_wait3A_11 : memref<64x768xf32, #tpu.memory_space<vmem>>)
    %add3A_17 = arith.constant 0 : i32
    %add3A_18 = arith.addi %mul3A_2, %add3A_17 : i32
    "tpu.region"() ({
      %run_scoped3A = tpu.sem_alloc : memref<!tpu.dma_semaphore, #tpu.memory_space<semaphore_mem>>
      %dma_start3A_19 = arith.constant 0 : i32
      %dma_start3A_20 = arith.constant 0 : i32
      %dma_start3A_21 = tpu.memref_slice %arg6[%dma_start3A_19, %dma_start3A_20] : memref<64x768xf32, #tpu.memory_space<vmem>> -> memref<64x768xf32, #tpu.memory_space<vmem>>
      %dma_start3A_22 = arith.constant 0 : i32
      %dma_start3A_23 = tpu.memref_slice %arg4[%add3A_18, %dma_start3A_22] : memref<2048x768xf32, #tpu.memory_space<hbm>> -> memref<64x768xf32, #tpu.memory_space<hbm>>
      %dma_start3A_24 = arith.constant 0 : i32
      %dma_start3A_25 = tpu.memref_slice %arg4[%add3A_18, %dma_start3A_24] : memref<2048x768xf32, #tpu.memory_space<hbm>> -> memref<64x768xf32, #tpu.memory_space<hbm>>
      %dma_start3A_26 = arith.constant 0 : i32
      %dma_start3A_27 = arith.constant 0 : i32
      %dma_start3A_28 = tpu.memref_slice %arg6[%dma_start3A_26, %dma_start3A_27] : memref<64x768xf32, #tpu.memory_space<vmem>> -> memref<64x768xf32, #tpu.memory_space<vmem>>
      tpu.enqueue_dma source(%dma_start3A_28 : memref<64x768xf32, #tpu.memory_space<vmem>>) target(%dma_start3A_25 : memref<64x768xf32, #tpu.memory_space<hbm>>) target_semaphore(%run_scoped3A : memref<!tpu.dma_semaphore, #tpu.memory_space<semaphore_mem>>)
      %dma_wait3A_29 = arith.constant 0 : i32
      %dma_wait3A_30 = arith.constant 0 : i32
      %dma_wait3A_31 = tpu.memref_slice %arg6[%dma_wait3A_29, %dma_wait3A_30] : memref<64x768xf32, #tpu.memory_space<vmem>> -> memref<64x768xf32, #tpu.memory_space<vmem>>
      %dma_wait3A_32 = arith.constant 0 : i32
      %dma_wait3A_33 = tpu.memref_slice %arg4[%add3A_18, %dma_wait3A_32] : memref<2048x768xf32, #tpu.memory_space<hbm>> -> memref<64x768xf32, #tpu.memory_space<hbm>>
      %dma_wait3A_34 = arith.constant 0 : i32
      %dma_wait3A_35 = tpu.memref_slice %arg4[%add3A_18, %dma_wait3A_34] : memref<2048x768xf32, #tpu.memory_space<hbm>> -> memref<64x768xf32, #tpu.memory_space<hbm>>
      %dma_wait3A_36 = arith.constant 0 : i32
      %dma_wait3A_37 = arith.constant 0 : i32
      %dma_wait3A_38 = tpu.memref_slice %arg6[%dma_wait3A_36, %dma_wait3A_37] : memref<64x768xf32, #tpu.memory_space<vmem>> -> memref<64x768xf32, #tpu.memory_space<vmem>>
      tpu.wait_dma2 semaphore(%run_scoped3A : memref<!tpu.dma_semaphore, #tpu.memory_space<semaphore_mem>>) src(%dma_wait3A_38 : memref<64x768xf32, #tpu.memory_space<vmem>>) dst(%dma_wait3A_35 : memref<64x768xf32, #tpu.memory_space<hbm>>)
      tpu.yield
    }) : () -> ()
    return
  }
}

#map = affine_map<(d0, d1) -> (0, 0)>
#map1 = affine_map<(d0, d1) -> (0)>
module attributes {stable_mosaic.version = 14 : i64} {
  func.func @sc_sort_gather(%arg0: i32, %arg1: i32, %arg2: memref<2048x768xf32, #tpu.memory_space<hbm>>, %arg3: memref<2048xi32, #tpu.memory_space<hbm>>, %arg4: memref<2048xf32, #tpu.memory_space<hbm>>, %arg5: memref<4096x768xf32, #tpu.memory_space<hbm>>, %arg6: memref<4096xf32, #tpu.memory_space<hbm>>, %arg7: memref<2048xi32, #tpu.memory_space<vmem>>, %arg8: memref<2048xf32, #tpu.memory_space<vmem>>, %arg9: memref<4096xi32, #tpu.memory_space<vmem>>, %arg10: memref<4096xf32, #tpu.memory_space<vmem>>, %arg11: memref<128x768xf32, #tpu.memory_space<vmem>>, %arg12: memref<!tpu.dma_semaphore, #tpu.memory_space<semaphore_mem>>, %arg13: memref<!tpu.dma_semaphore, #tpu.memory_space<semaphore_mem>>) attributes {dimension_semantics = [#tpu.dimension_semantics<core_parallel>, #tpu.dimension_semantics<subcore_parallel>], iteration_bounds = array<i64: 2, 16>, scalar_prefetch = 0 : i64, scratch_operands = 7 : i64, tpu.core_type = #tpu.core_type<sc_vector_subcore>, window_params = [{transform_indices = #map}, {transform_indices = #map1}, {transform_indices = #map1}, {transform_indices = #map}, {transform_indices = #map1}]} {
    %mul3A = arith.constant 2 : i32
    %mul3A_0 = arith.muli %arg1, %mul3A : i32
    %add3A = arith.addi %mul3A_0, %arg0 : i32
    %mul3A_1 = arith.constant 128 : i32
    %mul3A_2 = arith.muli %add3A, %mul3A_1 : i32
    %iota3A = tpu.iota {dimensions = array<i32: 0>} : vector<16xi32>
    "tpu.region"() ({
      %run_scoped3A = tpu.sem_alloc : memref<!tpu.dma_semaphore, #tpu.memory_space<semaphore_mem>>
      tpu.enqueue_dma source(%arg3 : memref<2048xi32, #tpu.memory_space<hbm>>) target(%arg7 : memref<2048xi32, #tpu.memory_space<vmem>>) target_semaphore(%run_scoped3A : memref<!tpu.dma_semaphore, #tpu.memory_space<semaphore_mem>>)
      tpu.wait_dma2 semaphore(%run_scoped3A : memref<!tpu.dma_semaphore, #tpu.memory_space<semaphore_mem>>) src(%arg3 : memref<2048xi32, #tpu.memory_space<hbm>>) dst(%arg7 : memref<2048xi32, #tpu.memory_space<vmem>>)
      tpu.yield
    }) : () -> ()
    %parallel_loop3A = arith.constant 0 : i32
    %parallel_loop3A_3 = arith.constant 256 : i32
    %parallel_loop3A_4 = arith.constant 1 : i32
    scf.for %parallel_loop3A_44 = %parallel_loop3A to %parallel_loop3A_3 step %parallel_loop3A_4  : i32 {
      %parallel_loop3A_45 = arith.constant 127 : i32
      %parallel_loop3A_46 = arith.andi %parallel_loop3A_44, %parallel_loop3A_45 : i32
      %parallel_loop3A_47 = arith.constant 16 : i32
      %parallel_loop3A_48 = arith.muli %parallel_loop3A_46, %parallel_loop3A_47 : i32
      %parallel_loop3A_49 = vector.broadcast %parallel_loop3A_48 : i32 to vector<16xi32>
      %parallel_loop3A_50 = arith.addi %iota3A, %parallel_loop3A_49 : vector<16xi32>
      %parallel_loop3A_51 = arith.constant 16 : i32
      %parallel_loop3A_52 = arith.muli %parallel_loop3A_44, %parallel_loop3A_51 : i32
      %parallel_loop3A_53 = arith.index_cast %parallel_loop3A_52 : i32 to index
      %parallel_loop3A_54 = tpu.vector_load %arg9[%parallel_loop3A_53] {strides = array<i32>} : memref<4096xi32, #tpu.memory_space<vmem>>, vector<16xi32>,
      tpu.vector_store %arg9[%parallel_loop3A_53], %parallel_loop3A_50 {strides = array<i32>} : memref<4096xi32, #tpu.memory_space<vmem>>, vector<16xi32>,
    } {sc.loop_unroll_factor = 8 : i64, sc.parallel_access}
    %parallel_loop3A_5 = arith.constant 0 : i32
    %parallel_loop3A_6 = arith.constant 128 : i32
    %parallel_loop3A_7 = arith.constant 1 : i32
    scf.for %parallel_loop3A_44 = %parallel_loop3A_5 to %parallel_loop3A_6 step %parallel_loop3A_7  : i32 {
      %parallel_loop3A_45 = arith.constant 16 : i32
      %parallel_loop3A_46 = arith.muli %parallel_loop3A_44, %parallel_loop3A_45 : i32
      %parallel_loop3A_47 = arith.index_cast %parallel_loop3A_46 : i32 to index
      %parallel_loop3A_48 = tpu.vector_load %arg7[%parallel_loop3A_47] {strides = array<i32>} : memref<2048xi32, #tpu.memory_space<vmem>>, vector<16xi32>,
      %parallel_loop3A_49 = arith.constant 16 : i32
      %parallel_loop3A_50 = arith.muli %parallel_loop3A_44, %parallel_loop3A_49 : i32
      %parallel_loop3A_51 = vector.broadcast %parallel_loop3A_50 : i32 to vector<16xi32>
      %parallel_loop3A_52 = arith.addi %iota3A, %parallel_loop3A_51 : vector<16xi32>
      tpu.vector_store_idx %arg9[%parallel_loop3A_48], %parallel_loop3A_52 : memref<4096xi32, #tpu.memory_space<vmem>>[vector<16xi32>], vector<16xi32>,
    } {sc.loop_unroll_factor = 8 : i64, sc.parallel_access}
    %add3A_8 = arith.constant 0 : i32
    %add3A_9 = arith.addi %mul3A_2, %add3A_8 : i32
    %dma_start3A = arith.constant 0 : i32
    %dma_start3A_10 = arith.constant 0 : i32
    %dma_start3A_11 = tpu.memref_slice %arg11[%dma_start3A, %dma_start3A_10] : memref<128x768xf32, #tpu.memory_space<vmem>> -> memref<64x768xf32, #tpu.memory_space<vmem>>
    %dma_start3A_12 = tpu.memref_slice %arg9[%add3A_9] : memref<4096xi32, #tpu.memory_space<vmem>> -> memref<64xi32, #tpu.memory_space<vmem>>
    %dma_start3A_13 = arith.constant 0 : i32
    %dma_start3A_14 = arith.constant 0 : i32
    %dma_start3A_15 = tpu.memref_slice %arg2[%dma_start3A_13, %dma_start3A_14] : memref<2048x768xf32, #tpu.memory_space<hbm>> -> memref<2048x768xf32, #tpu.memory_space<hbm>>
    tpu.enqueue_indirect_dma source(%dma_start3A_15 : memref<2048x768xf32, #tpu.memory_space<hbm>>) target(%dma_start3A_11 : memref<64x768xf32, #tpu.memory_space<vmem>>) offsets(%dma_start3A_12 : memref<64xi32, #tpu.memory_space<vmem>>) semaphore(%arg12 : memref<!tpu.dma_semaphore, #tpu.memory_space<semaphore_mem>>)
    %add3A_16 = arith.constant 64 : i32
    %add3A_17 = arith.addi %mul3A_2, %add3A_16 : i32
    %dma_start3A_18 = arith.constant 64 : i32
    %dma_start3A_19 = arith.constant 0 : i32
    %dma_start3A_20 = tpu.memref_slice %arg11[%dma_start3A_18, %dma_start3A_19] : memref<128x768xf32, #tpu.memory_space<vmem>> -> memref<64x768xf32, #tpu.memory_space<vmem>>
    %dma_start3A_21 = tpu.memref_slice %arg9[%add3A_17] : memref<4096xi32, #tpu.memory_space<vmem>> -> memref<64xi32, #tpu.memory_space<vmem>>
    %dma_start3A_22 = arith.constant 0 : i32
    %dma_start3A_23 = arith.constant 0 : i32
    %dma_start3A_24 = tpu.memref_slice %arg2[%dma_start3A_22, %dma_start3A_23] : memref<2048x768xf32, #tpu.memory_space<hbm>> -> memref<2048x768xf32, #tpu.memory_space<hbm>>
    tpu.enqueue_indirect_dma source(%dma_start3A_24 : memref<2048x768xf32, #tpu.memory_space<hbm>>) target(%dma_start3A_20 : memref<64x768xf32, #tpu.memory_space<vmem>>) offsets(%dma_start3A_21 : memref<64xi32, #tpu.memory_space<vmem>>) semaphore(%arg13 : memref<!tpu.dma_semaphore, #tpu.memory_space<semaphore_mem>>)
    %eq3A = arith.constant 0 : i32
    %eq3A_25 = arith.cmpi eq, %add3A, %eq3A : i32
    %convert_element_type3A = arith.extui %eq3A_25 : i1 to i32
    %cond3A = arith.constant 0 : i32
    %cond3A_26 = arith.cmpi ne, %convert_element_type3A, %cond3A : i32
    scf.if %cond3A_26 {
      "tpu.region"() ({
        %run_scoped3A = tpu.sem_alloc : memref<!tpu.dma_semaphore, #tpu.memory_space<semaphore_mem>>
        tpu.enqueue_dma source(%arg4 : memref<2048xf32, #tpu.memory_space<hbm>>) target(%arg8 : memref<2048xf32, #tpu.memory_space<vmem>>) target_semaphore(%run_scoped3A : memref<!tpu.dma_semaphore, #tpu.memory_space<semaphore_mem>>)
        tpu.wait_dma2 semaphore(%run_scoped3A : memref<!tpu.dma_semaphore, #tpu.memory_space<semaphore_mem>>) src(%arg4 : memref<2048xf32, #tpu.memory_space<hbm>>) dst(%arg8 : memref<2048xf32, #tpu.memory_space<vmem>>)
        tpu.yield
      }) : () -> ()
      %parallel_loop3A_44 = arith.constant 0 : i32
      %parallel_loop3A_45 = arith.constant 128 : i32
      %parallel_loop3A_46 = arith.constant 1 : i32
      scf.for %parallel_loop3A_47 = %parallel_loop3A_44 to %parallel_loop3A_45 step %parallel_loop3A_46  : i32 {
        %parallel_loop3A_48 = arith.constant 16 : i32
        %parallel_loop3A_49 = arith.muli %parallel_loop3A_47, %parallel_loop3A_48 : i32
        %parallel_loop3A_50 = arith.index_cast %parallel_loop3A_49 : i32 to index
        %parallel_loop3A_51 = tpu.vector_load %arg7[%parallel_loop3A_50] {strides = array<i32>} : memref<2048xi32, #tpu.memory_space<vmem>>, vector<16xi32>,
        %parallel_loop3A_52 = arith.constant 16 : i32
        %parallel_loop3A_53 = arith.muli %parallel_loop3A_47, %parallel_loop3A_52 : i32
        %parallel_loop3A_54 = arith.index_cast %parallel_loop3A_53 : i32 to index
        %parallel_loop3A_55 = tpu.vector_load %arg8[%parallel_loop3A_54] {strides = array<i32>} : memref<2048xf32, #tpu.memory_space<vmem>>, vector<16xf32>,
        tpu.vector_store_idx %arg10[%parallel_loop3A_51], %parallel_loop3A_55 : memref<4096xf32, #tpu.memory_space<vmem>>[vector<16xi32>], vector<16xf32>,
      } {sc.loop_unroll_factor = 8 : i64, sc.parallel_access}
      "tpu.region"() ({
        %run_scoped3A = tpu.sem_alloc : memref<!tpu.dma_semaphore, #tpu.memory_space<semaphore_mem>>
        tpu.enqueue_dma source(%arg10 : memref<4096xf32, #tpu.memory_space<vmem>>) target(%arg6 : memref<4096xf32, #tpu.memory_space<hbm>>) target_semaphore(%run_scoped3A : memref<!tpu.dma_semaphore, #tpu.memory_space<semaphore_mem>>)
        tpu.wait_dma2 semaphore(%run_scoped3A : memref<!tpu.dma_semaphore, #tpu.memory_space<semaphore_mem>>) src(%arg10 : memref<4096xf32, #tpu.memory_space<vmem>>) dst(%arg6 : memref<4096xf32, #tpu.memory_space<hbm>>)
        tpu.yield
      }) : () -> ()
    } else {
    }
    %dma_wait3A = arith.constant 0 : i32
    %dma_wait3A_27 = arith.constant 0 : i32
    %dma_wait3A_28 = tpu.memref_slice %arg11[%dma_wait3A, %dma_wait3A_27] : memref<128x768xf32, #tpu.memory_space<vmem>> -> memref<64x768xf32, #tpu.memory_space<vmem>>
    %dma_wait3A_29 = tpu.memref_slice %arg9[%add3A_9] : memref<4096xi32, #tpu.memory_space<vmem>> -> memref<64xi32, #tpu.memory_space<vmem>>
    %dma_wait3A_30 = arith.constant 0 : i32
    %dma_wait3A_31 = arith.constant 0 : i32
    %dma_wait3A_32 = tpu.memref_slice %arg2[%dma_wait3A_30, %dma_wait3A_31] : memref<2048x768xf32, #tpu.memory_space<hbm>> -> memref<2048x768xf32, #tpu.memory_space<hbm>>
    tpu.wait_indirect_dma semaphore(%arg12 : memref<!tpu.dma_semaphore, #tpu.memory_space<semaphore_mem>>) src(%dma_wait3A_32 : memref<2048x768xf32, #tpu.memory_space<hbm>>) dst(%dma_wait3A_28 : memref<64x768xf32, #tpu.memory_space<vmem>>)
    %add3A_33 = arith.constant 0 : i32
    %add3A_34 = arith.addi %mul3A_2, %add3A_33 : i32
    "tpu.region"() ({
      %run_scoped3A = tpu.sem_alloc : memref<!tpu.dma_semaphore, #tpu.memory_space<semaphore_mem>>
      %dma_start3A_44 = arith.constant 0 : i32
      %dma_start3A_45 = arith.constant 0 : i32
      %dma_start3A_46 = tpu.memref_slice %arg11[%dma_start3A_44, %dma_start3A_45] : memref<128x768xf32, #tpu.memory_space<vmem>> -> memref<64x768xf32, #tpu.memory_space<vmem>>
      %dma_start3A_47 = arith.constant 0 : i32
      %dma_start3A_48 = tpu.memref_slice %arg5[%add3A_34, %dma_start3A_47] : memref<4096x768xf32, #tpu.memory_space<hbm>> -> memref<64x768xf32, #tpu.memory_space<hbm>>
      %dma_start3A_49 = arith.constant 0 : i32
      %dma_start3A_50 = tpu.memref_slice %arg5[%add3A_34, %dma_start3A_49] : memref<4096x768xf32, #tpu.memory_space<hbm>> -> memref<64x768xf32, #tpu.memory_space<hbm>>
      %dma_start3A_51 = arith.constant 0 : i32
      %dma_start3A_52 = arith.constant 0 : i32
      %dma_start3A_53 = tpu.memref_slice %arg11[%dma_start3A_51, %dma_start3A_52] : memref<128x768xf32, #tpu.memory_space<vmem>> -> memref<64x768xf32, #tpu.memory_space<vmem>>
      tpu.enqueue_dma source(%dma_start3A_53 : memref<64x768xf32, #tpu.memory_space<vmem>>) target(%dma_start3A_50 : memref<64x768xf32, #tpu.memory_space<hbm>>) target_semaphore(%run_scoped3A : memref<!tpu.dma_semaphore, #tpu.memory_space<semaphore_mem>>)
      %dma_wait3A_54 = arith.constant 0 : i32
      %dma_wait3A_55 = arith.constant 0 : i32
      %dma_wait3A_56 = tpu.memref_slice %arg11[%dma_wait3A_54, %dma_wait3A_55] : memref<128x768xf32, #tpu.memory_space<vmem>> -> memref<64x768xf32, #tpu.memory_space<vmem>>
      %dma_wait3A_57 = arith.constant 0 : i32
      %dma_wait3A_58 = tpu.memref_slice %arg5[%add3A_34, %dma_wait3A_57] : memref<4096x768xf32, #tpu.memory_space<hbm>> -> memref<64x768xf32, #tpu.memory_space<hbm>>
      %dma_wait3A_59 = arith.constant 0 : i32
      %dma_wait3A_60 = tpu.memref_slice %arg5[%add3A_34, %dma_wait3A_59] : memref<4096x768xf32, #tpu.memory_space<hbm>> -> memref<64x768xf32, #tpu.memory_space<hbm>>
      %dma_wait3A_61 = arith.constant 0 : i32
      %dma_wait3A_62 = arith.constant 0 : i32
      %dma_wait3A_63 = tpu.memref_slice %arg11[%dma_wait3A_61, %dma_wait3A_62] : memref<128x768xf32, #tpu.memory_space<vmem>> -> memref<64x768xf32, #tpu.memory_space<vmem>>
      tpu.wait_dma2 semaphore(%run_scoped3A : memref<!tpu.dma_semaphore, #tpu.memory_space<semaphore_mem>>) src(%dma_wait3A_63 : memref<64x768xf32, #tpu.memory_space<vmem>>) dst(%dma_wait3A_60 : memref<64x768xf32, #tpu.memory_space<hbm>>)
      tpu.yield
    }) : () -> ()
    %dma_wait3A_35 = arith.constant 64 : i32
    %dma_wait3A_36 = arith.constant 0 : i32
    %dma_wait3A_37 = tpu.memref_slice %arg11[%dma_wait3A_35, %dma_wait3A_36] : memref<128x768xf32, #tpu.memory_space<vmem>> -> memref<64x768xf32, #tpu.memory_space<vmem>>
    %dma_wait3A_38 = tpu.memref_slice %arg9[%add3A_17] : memref<4096xi32, #tpu.memory_space<vmem>> -> memref<64xi32, #tpu.memory_space<vmem>>
    %dma_wait3A_39 = arith.constant 0 : i32
    %dma_wait3A_40 = arith.constant 0 : i32
    %dma_wait3A_41 = tpu.memref_slice %arg2[%dma_wait3A_39, %dma_wait3A_40] : memref<2048x768xf32, #tpu.memory_space<hbm>> -> memref<2048x768xf32, #tpu.memory_space<hbm>>
    tpu.wait_indirect_dma semaphore(%arg13 : memref<!tpu.dma_semaphore, #tpu.memory_space<semaphore_mem>>) src(%dma_wait3A_41 : memref<2048x768xf32, #tpu.memory_space<hbm>>) dst(%dma_wait3A_37 : memref<64x768xf32, #tpu.memory_space<vmem>>)
    %add3A_42 = arith.constant 64 : i32
    %add3A_43 = arith.addi %mul3A_2, %add3A_42 : i32
    "tpu.region"() ({
      %run_scoped3A = tpu.sem_alloc : memref<!tpu.dma_semaphore, #tpu.memory_space<semaphore_mem>>
      %dma_start3A_44 = arith.constant 64 : i32
      %dma_start3A_45 = arith.constant 0 : i32
      %dma_start3A_46 = tpu.memref_slice %arg11[%dma_start3A_44, %dma_start3A_45] : memref<128x768xf32, #tpu.memory_space<vmem>> -> memref<64x768xf32, #tpu.memory_space<vmem>>
      %dma_start3A_47 = arith.constant 0 : i32
      %dma_start3A_48 = tpu.memref_slice %arg5[%add3A_43, %dma_start3A_47] : memref<4096x768xf32, #tpu.memory_space<hbm>> -> memref<64x768xf32, #tpu.memory_space<hbm>>
      %dma_start3A_49 = arith.constant 0 : i32
      %dma_start3A_50 = tpu.memref_slice %arg5[%add3A_43, %dma_start3A_49] : memref<4096x768xf32, #tpu.memory_space<hbm>> -> memref<64x768xf32, #tpu.memory_space<hbm>>
      %dma_start3A_51 = arith.constant 64 : i32
      %dma_start3A_52 = arith.constant 0 : i32
      %dma_start3A_53 = tpu.memref_slice %arg11[%dma_start3A_51, %dma_start3A_52] : memref<128x768xf32, #tpu.memory_space<vmem>> -> memref<64x768xf32, #tpu.memory_space<vmem>>
      tpu.enqueue_dma source(%dma_start3A_53 : memref<64x768xf32, #tpu.memory_space<vmem>>) target(%dma_start3A_50 : memref<64x768xf32, #tpu.memory_space<hbm>>) target_semaphore(%run_scoped3A : memref<!tpu.dma_semaphore, #tpu.memory_space<semaphore_mem>>)
      %dma_wait3A_54 = arith.constant 64 : i32
      %dma_wait3A_55 = arith.constant 0 : i32
      %dma_wait3A_56 = tpu.memref_slice %arg11[%dma_wait3A_54, %dma_wait3A_55] : memref<128x768xf32, #tpu.memory_space<vmem>> -> memref<64x768xf32, #tpu.memory_space<vmem>>
      %dma_wait3A_57 = arith.constant 0 : i32
      %dma_wait3A_58 = tpu.memref_slice %arg5[%add3A_43, %dma_wait3A_57] : memref<4096x768xf32, #tpu.memory_space<hbm>> -> memref<64x768xf32, #tpu.memory_space<hbm>>
      %dma_wait3A_59 = arith.constant 0 : i32
      %dma_wait3A_60 = tpu.memref_slice %arg5[%add3A_43, %dma_wait3A_59] : memref<4096x768xf32, #tpu.memory_space<hbm>> -> memref<64x768xf32, #tpu.memory_space<hbm>>
      %dma_wait3A_61 = arith.constant 64 : i32
      %dma_wait3A_62 = arith.constant 0 : i32
      %dma_wait3A_63 = tpu.memref_slice %arg11[%dma_wait3A_61, %dma_wait3A_62] : memref<128x768xf32, #tpu.memory_space<vmem>> -> memref<64x768xf32, #tpu.memory_space<vmem>>
      tpu.wait_dma2 semaphore(%run_scoped3A : memref<!tpu.dma_semaphore, #tpu.memory_space<semaphore_mem>>) src(%dma_wait3A_63 : memref<64x768xf32, #tpu.memory_space<vmem>>) dst(%dma_wait3A_60 : memref<64x768xf32, #tpu.memory_space<hbm>>)
      tpu.yield
    }) : () -> ()
    return
  }
}

module attributes {stable_mosaic.version = 14 : i64} {
  func.func @_router_body(%arg0: memref<2048x768xf32, #tpu.memory_space<vmem>>, %arg1: memref<768x16xf32, #tpu.memory_space<vmem>>, %arg2: memref<2048x16xf32, #tpu.memory_space<vmem>>, %arg3: memref<2048x1xi32, #tpu.memory_space<vmem>>, %arg4: memref<2048x1xf32, #tpu.memory_space<vmem>>, %arg5: memref<34x1xi32, #tpu.memory_space<vmem>>) attributes {dimension_semantics = [], scalar_prefetch = 0 : i64, scratch_operands = 0 : i64, tpu.core_type = #tpu.core_type<tc>} {
    %get3A = arith.constant 0 : index
    %get3A_0 = arith.constant 0 : index
    %get3A_1 = vector.load %arg0[%get3A, %get3A_0] : memref<2048x768xf32, #tpu.memory_space<vmem>>, vector<2048x768xf32>
    %get3A_2 = arith.constant 0 : index
    %get3A_3 = arith.constant 0 : index
    %get3A_4 = vector.load %arg1[%get3A_2, %get3A_3] : memref<768x16xf32, #tpu.memory_space<vmem>>, vector<768x16xf32>
    %dot_general3A = arith.constant dense<0.000000e+00> : vector<2048x16xf32>
    %dot_general3A_5 = tpu.matmul %get3A_1, %get3A_4, %dot_general3A {dimension_numbers = #tpu.dot_dimension_numbers<[1], [0], [0], [1], [0, 0, 1, 1], [], []>, transpose_lhs_hint = false} : vector<2048x768xf32>, vector<768x16xf32>, vector<2048x16xf32> -> vector<2048x16xf32>
    %swap3A = arith.constant 0 : index
    %swap3A_6 = arith.constant 0 : index
    %swap3A_7 = vector.load %arg2[%swap3A, %swap3A_6] : memref<2048x16xf32, #tpu.memory_space<vmem>>, vector<2048x16xf32>
    tpu.vector_store %arg2[%swap3A, %swap3A_6], %dot_general3A_5 {strides = array<i32>} : memref<2048x16xf32, #tpu.memory_space<vmem>>, vector<2048x16xf32>,
    %reduce_max3A = arith.constant dense<0xFF800000> : vector<2048xf32>
    %reduce_max3A_8 = vector.multi_reduction <maximumf>, %dot_general3A_5, %reduce_max3A [1] : vector<2048x16xf32> to vector<2048xf32>
    %broadcast_in_dim3A = vector.shape_cast %reduce_max3A_8 : vector<2048xf32> to vector<2048x1xf32>
    %sub3A = vector.broadcast %broadcast_in_dim3A : vector<2048x1xf32> to vector<2048x16xf32>
    %sub3A_9 = arith.subf %dot_general3A_5, %sub3A : vector<2048x16xf32>
    %exp3A = math.exp %sub3A_9 : vector<2048x16xf32>
    %reduce_sum3A = arith.constant dense<0.000000e+00> : vector<2048xf32>
    %reduce_sum3A_10 = vector.multi_reduction <add>, %exp3A, %reduce_sum3A [1] : vector<2048x16xf32> to vector<2048xf32>
    %broadcast_in_dim3A_11 = vector.shape_cast %reduce_sum3A_10 : vector<2048xf32> to vector<2048x1xf32>
    %div3A = arith.constant 1.000000e+00 : f32
    %div3A_12 = vector.broadcast %div3A : f32 to vector<2048x1xf32>
    %div3A_13 = arith.divf %div3A_12, %broadcast_in_dim3A_11 : vector<2048x1xf32>
    %swap3A_14 = arith.constant 0 : index
    %swap3A_15 = arith.constant 0 : index
    %swap3A_16 = vector.load %arg4[%swap3A_14, %swap3A_15] : memref<2048x1xf32, #tpu.memory_space<vmem>>, vector<2048x1xf32>
    tpu.vector_store %arg4[%swap3A_14, %swap3A_15], %div3A_13 {strides = array<i32>} : memref<2048x1xf32, #tpu.memory_space<vmem>>, vector<2048x1xf32>,
    %iota3A = tpu.iota {dimensions = array<i32: 1>} : vector<2048x16xi32>
    %eq3A = vector.broadcast %broadcast_in_dim3A : vector<2048x1xf32> to vector<2048x16xf32>
    %eq3A_17 = arith.cmpf oeq, %dot_general3A_5, %eq3A : vector<2048x16xf32>
    %jit3A = arith.constant 16 : i32
    %broadcast_in_dim3A_18 = vector.broadcast %jit3A : i32 to vector<2048x16xi32>
    %select_n3A = arith.select %eq3A_17, %iota3A, %broadcast_in_dim3A_18 : vector<2048x16xi1>, vector<2048x16xi32>
    %reduce_min3A = arith.constant dense<2147483647> : vector<2048xi32>
    %reduce_min3A_19 = vector.multi_reduction <minsi>, %select_n3A, %reduce_min3A [1] : vector<2048x16xi32> to vector<2048xi32>
    %broadcast_in_dim3A_20 = vector.shape_cast %reduce_min3A_19 : vector<2048xi32> to vector<2048x1xi32>
    %eq3A_21 = vector.broadcast %broadcast_in_dim3A_20 : vector<2048x1xi32> to vector<2048x16xi32>
    %eq3A_22 = arith.cmpi eq, %iota3A, %eq3A_21 : vector<2048x16xi32>
    %convert_element_type3A = arith.extui %eq3A_22 : vector<2048x16xi1> to vector<2048x16xi32>
    %convert_element_type3A_23 = arith.sitofp %convert_element_type3A : vector<2048x16xi32> to vector<2048x16xf32>
    %iota3A_24 = tpu.iota {dimensions = array<i32: 0>} : vector<128x128xi32>
    %iota3A_25 = tpu.iota {dimensions = array<i32: 1>} : vector<128x128xi32>
    %le3A = arith.cmpi sle, %iota3A_25, %iota3A_24 : vector<128x128xi32>
    %convert_element_type3A_26 = arith.extui %le3A : vector<128x128xi1> to vector<128x128xi32>
    %convert_element_type3A_27 = arith.sitofp %convert_element_type3A_26 : vector<128x128xi32> to vector<128x128xf32>
    %broadcast_in_dim3A_28 = arith.constant 0.000000e+00 : f32
    %broadcast_in_dim3A_29 = vector.broadcast %broadcast_in_dim3A_28 : f32 to vector<1x16xf32>
    %slice3A = vector.extract_strided_slice %convert_element_type3A_23 {offsets = [0, 0], sizes = [128, 16], strides = [1, 1]} : vector<2048x16xf32> to vector<128x16xf32>
    %dot_general3A_30 = arith.constant dense<0.000000e+00> : vector<128x16xf32>
    %dot_general3A_31 = tpu.matmul %convert_element_type3A_27, %slice3A, %dot_general3A_30 {dimension_numbers = #tpu.dot_dimension_numbers<[1], [0], [0], [1], [0, 0, 1, 1], [], []>, transpose_lhs_hint = false} : vector<128x128xf32>, vector<128x16xf32>, vector<128x16xf32> -> vector<128x16xf32>
    %add3A = vector.broadcast %broadcast_in_dim3A_29 : vector<1x16xf32> to vector<128x16xf32>
    %add3A_32 = arith.addf %dot_general3A_31, %add3A : vector<128x16xf32>
    %slice3A_33 = vector.extract_strided_slice %add3A_32 {offsets = [127, 0], sizes = [1, 16], strides = [1, 1]} : vector<128x16xf32> to vector<1x16xf32>
    %slice3A_34 = vector.extract_strided_slice %convert_element_type3A_23 {offsets = [128, 0], sizes = [128, 16], strides = [1, 1]} : vector<2048x16xf32> to vector<128x16xf32>
    %dot_general3A_35 = arith.constant dense<0.000000e+00> : vector<128x16xf32>
    %dot_general3A_36 = tpu.matmul %convert_element_type3A_27, %slice3A_34, %dot_general3A_35 {dimension_numbers = #tpu.dot_dimension_numbers<[1], [0], [0], [1], [0, 0, 1, 1], [], []>, transpose_lhs_hint = false} : vector<128x128xf32>, vector<128x16xf32>, vector<128x16xf32> -> vector<128x16xf32>
    %add3A_37 = vector.broadcast %slice3A_33 : vector<1x16xf32> to vector<128x16xf32>
    %add3A_38 = arith.addf %dot_general3A_36, %add3A_37 : vector<128x16xf32>
    %slice3A_39 = vector.extract_strided_slice %add3A_38 {offsets = [127, 0], sizes = [1, 16], strides = [1, 1]} : vector<128x16xf32> to vector<1x16xf32>
    %slice3A_40 = vector.extract_strided_slice %convert_element_type3A_23 {offsets = [256, 0], sizes = [128, 16], strides = [1, 1]} : vector<2048x16xf32> to vector<128x16xf32>
    %dot_general3A_41 = arith.constant dense<0.000000e+00> : vector<128x16xf32>
    %dot_general3A_42 = tpu.matmul %convert_element_type3A_27, %slice3A_40, %dot_general3A_41 {dimension_numbers = #tpu.dot_dimension_numbers<[1], [0], [0], [1], [0, 0, 1, 1], [], []>, transpose_lhs_hint = false} : vector<128x128xf32>, vector<128x16xf32>, vector<128x16xf32> -> vector<128x16xf32>
    %add3A_43 = vector.broadcast %slice3A_39 : vector<1x16xf32> to vector<128x16xf32>
    %add3A_44 = arith.addf %dot_general3A_42, %add3A_43 : vector<128x16xf32>
    %slice3A_45 = vector.extract_strided_slice %add3A_44 {offsets = [127, 0], sizes = [1, 16], strides = [1, 1]} : vector<128x16xf32> to vector<1x16xf32>
    %slice3A_46 = vector.extract_strided_slice %convert_element_type3A_23 {offsets = [384, 0], sizes = [128, 16], strides = [1, 1]} : vector<2048x16xf32> to vector<128x16xf32>
    %dot_general3A_47 = arith.constant dense<0.000000e+00> : vector<128x16xf32>
    %dot_general3A_48 = tpu.matmul %convert_element_type3A_27, %slice3A_46, %dot_general3A_47 {dimension_numbers = #tpu.dot_dimension_numbers<[1], [0], [0], [1], [0, 0, 1, 1], [], []>, transpose_lhs_hint = false} : vector<128x128xf32>, vector<128x16xf32>, vector<128x16xf32> -> vector<128x16xf32>
    %add3A_49 = vector.broadcast %slice3A_45 : vector<1x16xf32> to vector<128x16xf32>
    %add3A_50 = arith.addf %dot_general3A_48, %add3A_49 : vector<128x16xf32>
    %slice3A_51 = vector.extract_strided_slice %add3A_50 {offsets = [127, 0], sizes = [1, 16], strides = [1, 1]} : vector<128x16xf32> to vector<1x16xf32>
    %slice3A_52 = vector.extract_strided_slice %convert_element_type3A_23 {offsets = [512, 0], sizes = [128, 16], strides = [1, 1]} : vector<2048x16xf32> to vector<128x16xf32>
    %dot_general3A_53 = arith.constant dense<0.000000e+00> : vector<128x16xf32>
    %dot_general3A_54 = tpu.matmul %convert_element_type3A_27, %slice3A_52, %dot_general3A_53 {dimension_numbers = #tpu.dot_dimension_numbers<[1], [0], [0], [1], [0, 0, 1, 1], [], []>, transpose_lhs_hint = false} : vector<128x128xf32>, vector<128x16xf32>, vector<128x16xf32> -> vector<128x16xf32>
    %add3A_55 = vector.broadcast %slice3A_51 : vector<1x16xf32> to vector<128x16xf32>
    %add3A_56 = arith.addf %dot_general3A_54, %add3A_55 : vector<128x16xf32>
    %slice3A_57 = vector.extract_strided_slice %add3A_56 {offsets = [127, 0], sizes = [1, 16], strides = [1, 1]} : vector<128x16xf32> to vector<1x16xf32>
    %slice3A_58 = vector.extract_strided_slice %convert_element_type3A_23 {offsets = [640, 0], sizes = [128, 16], strides = [1, 1]} : vector<2048x16xf32> to vector<128x16xf32>
    %dot_general3A_59 = arith.constant dense<0.000000e+00> : vector<128x16xf32>
    %dot_general3A_60 = tpu.matmul %convert_element_type3A_27, %slice3A_58, %dot_general3A_59 {dimension_numbers = #tpu.dot_dimension_numbers<[1], [0], [0], [1], [0, 0, 1, 1], [], []>, transpose_lhs_hint = false} : vector<128x128xf32>, vector<128x16xf32>, vector<128x16xf32> -> vector<128x16xf32>
    %add3A_61 = vector.broadcast %slice3A_57 : vector<1x16xf32> to vector<128x16xf32>
    %add3A_62 = arith.addf %dot_general3A_60, %add3A_61 : vector<128x16xf32>
    %slice3A_63 = vector.extract_strided_slice %add3A_62 {offsets = [127, 0], sizes = [1, 16], strides = [1, 1]} : vector<128x16xf32> to vector<1x16xf32>
    %slice3A_64 = vector.extract_strided_slice %convert_element_type3A_23 {offsets = [768, 0], sizes = [128, 16], strides = [1, 1]} : vector<2048x16xf32> to vector<128x16xf32>
    %dot_general3A_65 = arith.constant dense<0.000000e+00> : vector<128x16xf32>
    %dot_general3A_66 = tpu.matmul %convert_element_type3A_27, %slice3A_64, %dot_general3A_65 {dimension_numbers = #tpu.dot_dimension_numbers<[1], [0], [0], [1], [0, 0, 1, 1], [], []>, transpose_lhs_hint = false} : vector<128x128xf32>, vector<128x16xf32>, vector<128x16xf32> -> vector<128x16xf32>
    %add3A_67 = vector.broadcast %slice3A_63 : vector<1x16xf32> to vector<128x16xf32>
    %add3A_68 = arith.addf %dot_general3A_66, %add3A_67 : vector<128x16xf32>
    %slice3A_69 = vector.extract_strided_slice %add3A_68 {offsets = [127, 0], sizes = [1, 16], strides = [1, 1]} : vector<128x16xf32> to vector<1x16xf32>
    %slice3A_70 = vector.extract_strided_slice %convert_element_type3A_23 {offsets = [896, 0], sizes = [128, 16], strides = [1, 1]} : vector<2048x16xf32> to vector<128x16xf32>
    %dot_general3A_71 = arith.constant dense<0.000000e+00> : vector<128x16xf32>
    %dot_general3A_72 = tpu.matmul %convert_element_type3A_27, %slice3A_70, %dot_general3A_71 {dimension_numbers = #tpu.dot_dimension_numbers<[1], [0], [0], [1], [0, 0, 1, 1], [], []>, transpose_lhs_hint = false} : vector<128x128xf32>, vector<128x16xf32>, vector<128x16xf32> -> vector<128x16xf32>
    %add3A_73 = vector.broadcast %slice3A_69 : vector<1x16xf32> to vector<128x16xf32>
    %add3A_74 = arith.addf %dot_general3A_72, %add3A_73 : vector<128x16xf32>
    %slice3A_75 = vector.extract_strided_slice %add3A_74 {offsets = [127, 0], sizes = [1, 16], strides = [1, 1]} : vector<128x16xf32> to vector<1x16xf32>
    %slice3A_76 = vector.extract_strided_slice %convert_element_type3A_23 {offsets = [1024, 0], sizes = [128, 16], strides = [1, 1]} : vector<2048x16xf32> to vector<128x16xf32>
    %dot_general3A_77 = arith.constant dense<0.000000e+00> : vector<128x16xf32>
    %dot_general3A_78 = tpu.matmul %convert_element_type3A_27, %slice3A_76, %dot_general3A_77 {dimension_numbers = #tpu.dot_dimension_numbers<[1], [0], [0], [1], [0, 0, 1, 1], [], []>, transpose_lhs_hint = false} : vector<128x128xf32>, vector<128x16xf32>, vector<128x16xf32> -> vector<128x16xf32>
    %add3A_79 = vector.broadcast %slice3A_75 : vector<1x16xf32> to vector<128x16xf32>
    %add3A_80 = arith.addf %dot_general3A_78, %add3A_79 : vector<128x16xf32>
    %slice3A_81 = vector.extract_strided_slice %add3A_80 {offsets = [127, 0], sizes = [1, 16], strides = [1, 1]} : vector<128x16xf32> to vector<1x16xf32>
    %slice3A_82 = vector.extract_strided_slice %convert_element_type3A_23 {offsets = [1152, 0], sizes = [128, 16], strides = [1, 1]} : vector<2048x16xf32> to vector<128x16xf32>
    %dot_general3A_83 = arith.constant dense<0.000000e+00> : vector<128x16xf32>
    %dot_general3A_84 = tpu.matmul %convert_element_type3A_27, %slice3A_82, %dot_general3A_83 {dimension_numbers = #tpu.dot_dimension_numbers<[1], [0], [0], [1], [0, 0, 1, 1], [], []>, transpose_lhs_hint = false} : vector<128x128xf32>, vector<128x16xf32>, vector<128x16xf32> -> vector<128x16xf32>
    %add3A_85 = vector.broadcast %slice3A_81 : vector<1x16xf32> to vector<128x16xf32>
    %add3A_86 = arith.addf %dot_general3A_84, %add3A_85 : vector<128x16xf32>
    %slice3A_87 = vector.extract_strided_slice %add3A_86 {offsets = [127, 0], sizes = [1, 16], strides = [1, 1]} : vector<128x16xf32> to vector<1x16xf32>
    %slice3A_88 = vector.extract_strided_slice %convert_element_type3A_23 {offsets = [1280, 0], sizes = [128, 16], strides = [1, 1]} : vector<2048x16xf32> to vector<128x16xf32>
    %dot_general3A_89 = arith.constant dense<0.000000e+00> : vector<128x16xf32>
    %dot_general3A_90 = tpu.matmul %convert_element_type3A_27, %slice3A_88, %dot_general3A_89 {dimension_numbers = #tpu.dot_dimension_numbers<[1], [0], [0], [1], [0, 0, 1, 1], [], []>, transpose_lhs_hint = false} : vector<128x128xf32>, vector<128x16xf32>, vector<128x16xf32> -> vector<128x16xf32>
    %add3A_91 = vector.broadcast %slice3A_87 : vector<1x16xf32> to vector<128x16xf32>
    %add3A_92 = arith.addf %dot_general3A_90, %add3A_91 : vector<128x16xf32>
    %slice3A_93 = vector.extract_strided_slice %add3A_92 {offsets = [127, 0], sizes = [1, 16], strides = [1, 1]} : vector<128x16xf32> to vector<1x16xf32>
    %slice3A_94 = vector.extract_strided_slice %convert_element_type3A_23 {offsets = [1408, 0], sizes = [128, 16], strides = [1, 1]} : vector<2048x16xf32> to vector<128x16xf32>
    %dot_general3A_95 = arith.constant dense<0.000000e+00> : vector<128x16xf32>
    %dot_general3A_96 = tpu.matmul %convert_element_type3A_27, %slice3A_94, %dot_general3A_95 {dimension_numbers = #tpu.dot_dimension_numbers<[1], [0], [0], [1], [0, 0, 1, 1], [], []>, transpose_lhs_hint = false} : vector<128x128xf32>, vector<128x16xf32>, vector<128x16xf32> -> vector<128x16xf32>
    %add3A_97 = vector.broadcast %slice3A_93 : vector<1x16xf32> to vector<128x16xf32>
    %add3A_98 = arith.addf %dot_general3A_96, %add3A_97 : vector<128x16xf32>
    %slice3A_99 = vector.extract_strided_slice %add3A_98 {offsets = [127, 0], sizes = [1, 16], strides = [1, 1]} : vector<128x16xf32> to vector<1x16xf32>
    %slice3A_100 = vector.extract_strided_slice %convert_element_type3A_23 {offsets = [1536, 0], sizes = [128, 16], strides = [1, 1]} : vector<2048x16xf32> to vector<128x16xf32>
    %dot_general3A_101 = arith.constant dense<0.000000e+00> : vector<128x16xf32>
    %dot_general3A_102 = tpu.matmul %convert_element_type3A_27, %slice3A_100, %dot_general3A_101 {dimension_numbers = #tpu.dot_dimension_numbers<[1], [0], [0], [1], [0, 0, 1, 1], [], []>, transpose_lhs_hint = false} : vector<128x128xf32>, vector<128x16xf32>, vector<128x16xf32> -> vector<128x16xf32>
    %add3A_103 = vector.broadcast %slice3A_99 : vector<1x16xf32> to vector<128x16xf32>
    %add3A_104 = arith.addf %dot_general3A_102, %add3A_103 : vector<128x16xf32>
    %slice3A_105 = vector.extract_strided_slice %add3A_104 {offsets = [127, 0], sizes = [1, 16], strides = [1, 1]} : vector<128x16xf32> to vector<1x16xf32>
    %slice3A_106 = vector.extract_strided_slice %convert_element_type3A_23 {offsets = [1664, 0], sizes = [128, 16], strides = [1, 1]} : vector<2048x16xf32> to vector<128x16xf32>
    %dot_general3A_107 = arith.constant dense<0.000000e+00> : vector<128x16xf32>
    %dot_general3A_108 = tpu.matmul %convert_element_type3A_27, %slice3A_106, %dot_general3A_107 {dimension_numbers = #tpu.dot_dimension_numbers<[1], [0], [0], [1], [0, 0, 1, 1], [], []>, transpose_lhs_hint = false} : vector<128x128xf32>, vector<128x16xf32>, vector<128x16xf32> -> vector<128x16xf32>
    %add3A_109 = vector.broadcast %slice3A_105 : vector<1x16xf32> to vector<128x16xf32>
    %add3A_110 = arith.addf %dot_general3A_108, %add3A_109 : vector<128x16xf32>
    %slice3A_111 = vector.extract_strided_slice %add3A_110 {offsets = [127, 0], sizes = [1, 16], strides = [1, 1]} : vector<128x16xf32> to vector<1x16xf32>
    %slice3A_112 = vector.extract_strided_slice %convert_element_type3A_23 {offsets = [1792, 0], sizes = [128, 16], strides = [1, 1]} : vector<2048x16xf32> to vector<128x16xf32>
    %dot_general3A_113 = arith.constant dense<0.000000e+00> : vector<128x16xf32>
    %dot_general3A_114 = tpu.matmul %convert_element_type3A_27, %slice3A_112, %dot_general3A_113 {dimension_numbers = #tpu.dot_dimension_numbers<[1], [0], [0], [1], [0, 0, 1, 1], [], []>, transpose_lhs_hint = false} : vector<128x128xf32>, vector<128x16xf32>, vector<128x16xf32> -> vector<128x16xf32>
    %add3A_115 = vector.broadcast %slice3A_111 : vector<1x16xf32> to vector<128x16xf32>
    %add3A_116 = arith.addf %dot_general3A_114, %add3A_115 : vector<128x16xf32>
    %slice3A_117 = vector.extract_strided_slice %add3A_116 {offsets = [127, 0], sizes = [1, 16], strides = [1, 1]} : vector<128x16xf32> to vector<1x16xf32>
    %slice3A_118 = vector.extract_strided_slice %convert_element_type3A_23 {offsets = [1920, 0], sizes = [128, 16], strides = [1, 1]} : vector<2048x16xf32> to vector<128x16xf32>
    %dot_general3A_119 = arith.constant dense<0.000000e+00> : vector<128x16xf32>
    %dot_general3A_120 = tpu.matmul %convert_element_type3A_27, %slice3A_118, %dot_general3A_119 {dimension_numbers = #tpu.dot_dimension_numbers<[1], [0], [0], [1], [0, 0, 1, 1], [], []>, transpose_lhs_hint = false} : vector<128x128xf32>, vector<128x16xf32>, vector<128x16xf32> -> vector<128x16xf32>
    %add3A_121 = vector.broadcast %slice3A_117 : vector<1x16xf32> to vector<128x16xf32>
    %add3A_122 = arith.addf %dot_general3A_120, %add3A_121 : vector<128x16xf32>
    %slice3A_123 = vector.extract_strided_slice %add3A_122 {offsets = [127, 0], sizes = [1, 16], strides = [1, 1]} : vector<128x16xf32> to vector<1x16xf32>
    %concatenate3A = tpu.concatenate %add3A_32, %add3A_38, %add3A_44, %add3A_50, %add3A_56, %add3A_62, %add3A_68, %add3A_74, %add3A_80, %add3A_86, %add3A_92, %add3A_98, %add3A_104, %add3A_110, %add3A_116, %add3A_122 in 0 : vector<128x16xf32>, vector<128x16xf32>, vector<128x16xf32>, vector<128x16xf32>, vector<128x16xf32>, vector<128x16xf32>, vector<128x16xf32>, vector<128x16xf32>, vector<128x16xf32>, vector<128x16xf32>, vector<128x16xf32>, vector<128x16xf32>, vector<128x16xf32>, vector<128x16xf32>, vector<128x16xf32>, vector<128x16xf32> -> vector<2048x16xf32>
    %div3A_124 = arith.constant 1.280000e+02 : f32
    %div3A_125 = vector.broadcast %div3A_124 : f32 to vector<1x16xf32>
    %div3A_126 = arith.divf %slice3A_123, %div3A_125 : vector<1x16xf32>
    %ceil3A = math.ceil %div3A_126 : vector<1x16xf32>
    %mul3A = arith.constant 1.280000e+02 : f32
    %mul3A_127 = vector.broadcast %mul3A : f32 to vector<1x16xf32>
    %mul3A_128 = arith.mulf %ceil3A, %mul3A_127 : vector<1x16xf32>
    %iota3A_129 = tpu.iota {dimensions = array<i32: 0>} : vector<16x16xi32>
    %iota3A_130 = tpu.iota {dimensions = array<i32: 1>} : vector<16x16xi32>
    %lt3A = arith.cmpi slt, %iota3A_129, %iota3A_130 : vector<16x16xi32>
    %convert_element_type3A_131 = arith.extui %lt3A : vector<16x16xi1> to vector<16x16xi32>
    %convert_element_type3A_132 = arith.sitofp %convert_element_type3A_131 : vector<16x16xi32> to vector<16x16xf32>
    %dot_general3A_133 = arith.constant dense<0.000000e+00> : vector<1x16xf32>
    %dot_general3A_134 = tpu.matmul %mul3A_128, %convert_element_type3A_132, %dot_general3A_133 {dimension_numbers = #tpu.dot_dimension_numbers<[1], [0], [0], [1], [0, 0, 1, 1], [], []>, transpose_lhs_hint = false} : vector<1x16xf32>, vector<16x16xf32>, vector<1x16xf32> -> vector<1x16xf32>
    %mul3A_135 = arith.mulf %convert_element_type3A_23, %concatenate3A : vector<2048x16xf32>
    %reduce_sum3A_136 = arith.constant dense<0.000000e+00> : vector<2048xf32>
    %reduce_sum3A_137 = vector.multi_reduction <add>, %mul3A_135, %reduce_sum3A_136 [1] : vector<2048x16xf32> to vector<2048xf32>
    %broadcast_in_dim3A_138 = vector.shape_cast %reduce_sum3A_137 : vector<2048xf32> to vector<2048x1xf32>
    %sub3A_139 = arith.constant 1.000000e+00 : f32
    %sub3A_140 = vector.broadcast %sub3A_139 : f32 to vector<2048x1xf32>
    %sub3A_141 = arith.subf %broadcast_in_dim3A_138, %sub3A_140 : vector<2048x1xf32>
    %mul3A_142 = vector.broadcast %dot_general3A_134 : vector<1x16xf32> to vector<2048x16xf32>
    %mul3A_143 = arith.mulf %convert_element_type3A_23, %mul3A_142 : vector<2048x16xf32>
    %reduce_sum3A_144 = arith.constant dense<0.000000e+00> : vector<2048xf32>
    %reduce_sum3A_145 = vector.multi_reduction <add>, %mul3A_143, %reduce_sum3A_144 [1] : vector<2048x16xf32> to vector<2048xf32>
    %broadcast_in_dim3A_146 = vector.shape_cast %reduce_sum3A_145 : vector<2048xf32> to vector<2048x1xf32>
    %add3A_147 = arith.addf %broadcast_in_dim3A_146, %sub3A_141 : vector<2048x1xf32>
    %convert_element_type3A_148 = arith.fptosi %add3A_147 : vector<2048x1xf32> to vector<2048x1xi32>
    %swap3A_149 = arith.constant 0 : index
    %swap3A_150 = arith.constant 0 : index
    %swap3A_151 = vector.load %arg3[%swap3A_149, %swap3A_150] : memref<2048x1xi32, #tpu.memory_space<vmem>>, vector<2048x1xi32>
    tpu.vector_store %arg3[%swap3A_149, %swap3A_150], %convert_element_type3A_148 {strides = array<i32>} : memref<2048x1xi32, #tpu.memory_space<vmem>>, vector<2048x1xi32>,
    %iota3A_152 = tpu.iota {dimensions = array<i32: 0>} : vector<32x16xi32>
    %convert_element_type3A_153 = arith.sitofp %iota3A_152 : vector<32x16xi32> to vector<32x16xf32>
    %mul3A_154 = arith.constant 1.280000e+02 : f32
    %mul3A_155 = vector.broadcast %mul3A_154 : f32 to vector<32x16xf32>
    %mul3A_156 = arith.mulf %convert_element_type3A_153, %mul3A_155 : vector<32x16xf32>
    %iota3A_157 = tpu.iota {dimensions = array<i32: 1>} : vector<32x16xi32>
    %ge3A = vector.broadcast %dot_general3A_134 : vector<1x16xf32> to vector<32x16xf32>
    %ge3A_158 = arith.cmpf oge, %mul3A_156, %ge3A : vector<32x16xf32>
    %add3A_159 = arith.addf %dot_general3A_134, %mul3A_128 : vector<1x16xf32>
    %lt3A_160 = vector.broadcast %add3A_159 : vector<1x16xf32> to vector<32x16xf32>
    %lt3A_161 = arith.cmpf olt, %mul3A_156, %lt3A_160 : vector<32x16xf32>
    %and3A = arith.andi %ge3A_158, %lt3A_161 : vector<32x16xi1>
    %gt3A = arith.constant 0.000000e+00 : f32
    %gt3A_162 = vector.broadcast %gt3A : f32 to vector<1x16xf32>
    %gt3A_163 = arith.cmpf ogt, %mul3A_128, %gt3A_162 : vector<1x16xf32>
    %slice3A_164 = vector.extract_strided_slice %iota3A_157 {offsets = [0, 0], sizes = [1, 16], strides = [1, 1]} : vector<32x16xi32> to vector<1x16xi32>
    %jit3A_165 = arith.constant 0 : i32
    %broadcast_in_dim3A_166 = vector.broadcast %jit3A_165 : i32 to vector<1x16xi32>
    %select_n3A_167 = arith.select %gt3A_163, %slice3A_164, %broadcast_in_dim3A_166 : vector<1x16xi1>, vector<1x16xi32>
    %reduce_max3A_168 = arith.constant dense<-2147483648> : vector<1xi32>
    %reduce_max3A_169 = vector.multi_reduction <maxsi>, %select_n3A_167, %reduce_max3A_168 [1] : vector<1x16xi32> to vector<1xi32>
    %broadcast_in_dim3A_170 = vector.shape_cast %reduce_max3A_169 : vector<1xi32> to vector<1x1xi32>
    %jit3A_171 = arith.constant 0 : i32
    %broadcast_in_dim3A_172 = vector.broadcast %jit3A_171 : i32 to vector<32x16xi32>
    %select_n3A_173 = arith.select %and3A, %iota3A_157, %broadcast_in_dim3A_172 : vector<32x16xi1>, vector<32x16xi32>
    %reduce_sum3A_174 = arith.constant dense<0> : vector<32xi32>
    %reduce_sum3A_175 = vector.multi_reduction <add>, %select_n3A_173, %reduce_sum3A_174 [1] : vector<32x16xi32> to vector<32xi32>
    %broadcast_in_dim3A_176 = vector.shape_cast %reduce_sum3A_175 : vector<32xi32> to vector<32x1xi32>
    %jit3A_177 = arith.constant 1 : i32
    %jit3A_178 = arith.constant 0 : i32
    %broadcast_in_dim3A_179 = vector.broadcast %jit3A_177 : i32 to vector<32x16xi32>
    %broadcast_in_dim3A_180 = vector.broadcast %jit3A_178 : i32 to vector<32x16xi32>
    %select_n3A_181 = arith.select %and3A, %broadcast_in_dim3A_179, %broadcast_in_dim3A_180 : vector<32x16xi1>, vector<32x16xi32>
    %reduce_sum3A_182 = arith.constant dense<0> : vector<32xi32>
    %reduce_sum3A_183 = vector.multi_reduction <add>, %select_n3A_181, %reduce_sum3A_182 [1] : vector<32x16xi32> to vector<32xi32>
    %broadcast_in_dim3A_184 = vector.shape_cast %reduce_sum3A_183 : vector<32xi32> to vector<32x1xi32>
    %gt3A_185 = arith.constant 0 : i32
    %gt3A_186 = vector.broadcast %gt3A_185 : i32 to vector<32x1xi32>
    %gt3A_187 = arith.cmpi sgt, %broadcast_in_dim3A_184, %gt3A_186 : vector<32x1xi32>
    %reduce_sum3A_188 = arith.constant dense<0.000000e+00> : vector<1xf32>
    %reduce_sum3A_189 = vector.multi_reduction <add>, %mul3A_128, %reduce_sum3A_188 [1] : vector<1x16xf32> to vector<1xf32>
    %broadcast_in_dim3A_190 = vector.shape_cast %reduce_sum3A_189 : vector<1xf32> to vector<1x1xf32>
    %div3A_191 = arith.constant 1.280000e+02 : f32
    %div3A_192 = vector.broadcast %div3A_191 : f32 to vector<1x1xf32>
    %div3A_193 = arith.divf %broadcast_in_dim3A_190, %div3A_192 : vector<1x1xf32>
    %convert_element_type3A_194 = arith.fptosi %div3A_193 : vector<1x1xf32> to vector<1x1xi32>
    %broadcast_in_dim3A_195 = vector.shape_cast %broadcast_in_dim3A_170 : vector<1x1xi32> to vector<1x1xi32>
    %broadcast_in_dim3A_196 = vector.broadcast %broadcast_in_dim3A_195 : vector<1x1xi32> to vector<32x1xi32>
    %select_n3A_197 = arith.select %gt3A_187, %broadcast_in_dim3A_176, %broadcast_in_dim3A_196 : vector<32x1xi1>, vector<32x1xi32>
    %concatenate3A_198 = tpu.concatenate %select_n3A_197, %convert_element_type3A_194, %convert_element_type3A_194 in 0 : vector<32x1xi32>, vector<1x1xi32>, vector<1x1xi32> -> vector<34x1xi32>
    %swap3A_199 = arith.constant 0 : index
    %swap3A_200 = arith.constant 0 : index
    %swap3A_201 = vector.load %arg5[%swap3A_199, %swap3A_200] : memref<34x1xi32, #tpu.memory_space<vmem>>, vector<34x1xi32>
    tpu.vector_store %arg5[%swap3A_199, %swap3A_200], %concatenate3A_198 {strides = array<i32>} : memref<34x1xi32, #tpu.memory_space<vmem>>, vector<34x1xi32>,
    return
  }
}

module attributes {stable_mosaic.version = 14 : i64} {
  func.func @_group_body(%arg0: i32, %arg1: memref<34xi32, #tpu.memory_space<smem>>, %arg2: memref<128x768xf32, #tpu.memory_space<vmem>>, %arg3: memref<1x768x1024xf32, #tpu.memory_space<vmem>>, %arg4: memref<1x1024x768xf32, #tpu.memory_space<vmem>>, %arg5: memref<128x1xf32, #tpu.memory_space<vmem>>, %arg6: memref<128x768xf32, #tpu.memory_space<vmem>>) attributes {dimension_semantics = [#tpu.dimension_semantics<arbitrary>], iteration_bounds = array<i64: 32>, scalar_prefetch = 1 : i64, scratch_operands = 0 : i64, tpu.core_type = #tpu.core_type<tc>, window_params = [{transform_indices = @transform_0, window_bounds = array<i64: 128, 768>}, {transform_indices = @transform_1, window_bounds = array<i64: 1, 768, 1024>}, {transform_indices = @transform_2, window_bounds = array<i64: 1, 1024, 768>}, {transform_indices = @transform_3, window_bounds = array<i64: 128, 1>}, {transform_indices = @transform_4, window_bounds = array<i64: 128, 768>}]} {
    %get3A = arith.constant 32 : index
    %get3A_0 = memref.load %arg1[%get3A] : memref<34xi32, #tpu.memory_space<smem>>
    %lt3A = arith.cmpi slt, %arg0, %get3A_0 : i32
    %convert_element_type3A = arith.extui %lt3A : i1 to i32
    %cond3A = arith.constant 0 : i32
    %cond3A_1 = arith.cmpi ne, %convert_element_type3A, %cond3A : i32
    scf.if %cond3A_1 {
      %get3A_2 = arith.constant 0 : index
      %get3A_3 = arith.constant 0 : index
      %get3A_4 = vector.load %arg2[%get3A_2, %get3A_3] : memref<128x768xf32, #tpu.memory_space<vmem>>, vector<128x768xf32>
      %convert_element_type3A_5 = arith.truncf %get3A_4 : vector<128x768xf32> to vector<128x768xbf16>
      %get3A_6 = arith.constant 0 : index
      %get3A_7 = arith.constant 0 : index
      %get3A_8 = arith.constant 0 : index
      %get3A_9 = vector.load %arg3[%get3A_6, %get3A_7, %get3A_8] : memref<1x768x1024xf32, #tpu.memory_space<vmem>>, vector<1x768x1024xf32>
      %get3A_10 = vector.shape_cast %get3A_9 : vector<1x768x1024xf32> to vector<768x1024xf32>
      %convert_element_type3A_11 = arith.truncf %get3A_10 : vector<768x1024xf32> to vector<768x1024xbf16>
      %dot_general3A = arith.constant dense<0.000000e+00> : vector<128x1024xf32>
      %dot_general3A_12 = tpu.matmul %convert_element_type3A_5, %convert_element_type3A_11, %dot_general3A {dimension_numbers = #tpu.dot_dimension_numbers<[1], [0], [0], [1], [0, 0, 1, 1], [], []>, transpose_lhs_hint = false} : vector<128x768xbf16>, vector<768x1024xbf16>, vector<128x1024xf32> -> vector<128x1024xf32>
      %abs3A = math.absf %dot_general3A_12 : vector<128x1024xf32>
      %mul3A = arith.constant 0.707106769 : f32
      %mul3A_13 = vector.broadcast %mul3A : f32 to vector<128x1024xf32>
      %mul3A_14 = arith.mulf %abs3A, %mul3A_13 : vector<128x1024xf32>
      %mul3A_15 = arith.constant 0.327591091 : f32
      %mul3A_16 = vector.broadcast %mul3A_15 : f32 to vector<128x1024xf32>
      %mul3A_17 = arith.mulf %mul3A_16, %mul3A_14 : vector<128x1024xf32>
      %add3A = arith.constant 1.000000e+00 : f32
      %add3A_18 = vector.broadcast %add3A : f32 to vector<128x1024xf32>
      %add3A_19 = arith.addf %add3A_18, %mul3A_17 : vector<128x1024xf32>
      %div3A = arith.constant 1.000000e+00 : f32
      %div3A_20 = vector.broadcast %div3A : f32 to vector<128x1024xf32>
      %div3A_21 = arith.divf %div3A_20, %add3A_19 : vector<128x1024xf32>
      %mul3A_22 = arith.constant 1.06140542 : f32
      %mul3A_23 = vector.broadcast %mul3A_22 : f32 to vector<128x1024xf32>
      %mul3A_24 = arith.mulf %div3A_21, %mul3A_23 : vector<128x1024xf32>
      %add3A_25 = arith.constant -1.45315206 : f32
      %add3A_26 = vector.broadcast %add3A_25 : f32 to vector<128x1024xf32>
      %add3A_27 = arith.addf %add3A_26, %mul3A_24 : vector<128x1024xf32>
      %mul3A_28 = arith.mulf %div3A_21, %add3A_27 : vector<128x1024xf32>
      %add3A_29 = arith.constant 1.42141378 : f32
      %add3A_30 = vector.broadcast %add3A_29 : f32 to vector<128x1024xf32>
      %add3A_31 = arith.addf %add3A_30, %mul3A_28 : vector<128x1024xf32>
      %mul3A_32 = arith.mulf %div3A_21, %add3A_31 : vector<128x1024xf32>
      %add3A_33 = arith.constant -0.284496725 : f32
      %add3A_34 = vector.broadcast %add3A_33 : f32 to vector<128x1024xf32>
      %add3A_35 = arith.addf %add3A_34, %mul3A_32 : vector<128x1024xf32>
      %mul3A_36 = arith.mulf %div3A_21, %add3A_35 : vector<128x1024xf32>
      %add3A_37 = arith.constant 0.254829586 : f32
      %add3A_38 = vector.broadcast %add3A_37 : f32 to vector<128x1024xf32>
      %add3A_39 = arith.addf %add3A_38, %mul3A_36 : vector<128x1024xf32>
      %mul3A_40 = arith.mulf %div3A_21, %add3A_39 : vector<128x1024xf32>
      %neg3A = arith.constant 0.000000e+00 : f32
      %neg3A_41 = vector.broadcast %neg3A : f32 to vector<128x1024xf32>
      %neg3A_42 = arith.subf %neg3A_41, %mul3A_14 : vector<128x1024xf32>
      %mul3A_43 = arith.mulf %neg3A_42, %mul3A_14 : vector<128x1024xf32>
      %exp3A = math.exp %mul3A_43 : vector<128x1024xf32>
      %mul3A_44 = arith.mulf %mul3A_40, %exp3A : vector<128x1024xf32>
      %sub3A = arith.constant 1.000000e+00 : f32
      %sub3A_45 = vector.broadcast %sub3A : f32 to vector<128x1024xf32>
      %sub3A_46 = arith.subf %sub3A_45, %mul3A_44 : vector<128x1024xf32>
      %ge3A = arith.constant 0.000000e+00 : f32
      %ge3A_47 = vector.broadcast %ge3A : f32 to vector<128x1024xf32>
      %ge3A_48 = arith.cmpf oge, %dot_general3A_12, %ge3A_47 : vector<128x1024xf32>
      %neg3A_49 = arith.constant 0.000000e+00 : f32
      %neg3A_50 = vector.broadcast %neg3A_49 : f32 to vector<128x1024xf32>
      %neg3A_51 = arith.subf %neg3A_50, %sub3A_46 : vector<128x1024xf32>
      %select_n3A = arith.select %ge3A_48, %sub3A_46, %neg3A_51 : vector<128x1024xi1>, vector<128x1024xf32>
      %mul3A_52 = arith.constant 5.000000e-01 : f32
      %mul3A_53 = vector.broadcast %mul3A_52 : f32 to vector<128x1024xf32>
      %mul3A_54 = arith.mulf %mul3A_53, %dot_general3A_12 : vector<128x1024xf32>
      %add3A_55 = arith.constant 1.000000e+00 : f32
      %add3A_56 = vector.broadcast %add3A_55 : f32 to vector<128x1024xf32>
      %add3A_57 = arith.addf %add3A_56, %select_n3A : vector<128x1024xf32>
      %mul3A_58 = arith.mulf %mul3A_54, %add3A_57 : vector<128x1024xf32>
      %convert_element_type3A_59 = arith.truncf %mul3A_58 : vector<128x1024xf32> to vector<128x1024xbf16>
      %get3A_60 = arith.constant 0 : index
      %get3A_61 = arith.constant 0 : index
      %get3A_62 = arith.constant 0 : index
      %get3A_63 = vector.load %arg4[%get3A_60, %get3A_61, %get3A_62] : memref<1x1024x768xf32, #tpu.memory_space<vmem>>, vector<1x1024x768xf32>
      %get3A_64 = vector.shape_cast %get3A_63 : vector<1x1024x768xf32> to vector<1024x768xf32>
      %convert_element_type3A_65 = arith.truncf %get3A_64 : vector<1024x768xf32> to vector<1024x768xbf16>
      %dot_general3A_66 = arith.constant dense<0.000000e+00> : vector<128x768xf32>
      %dot_general3A_67 = tpu.matmul %convert_element_type3A_59, %convert_element_type3A_65, %dot_general3A_66 {dimension_numbers = #tpu.dot_dimension_numbers<[1], [0], [0], [1], [0, 0, 1, 1], [], []>, transpose_lhs_hint = false} : vector<128x1024xbf16>, vector<1024x768xbf16>, vector<128x768xf32> -> vector<128x768xf32>
      %get3A_68 = arith.constant 0 : index
      %get3A_69 = arith.constant 0 : index
      %get3A_70 = vector.load %arg5[%get3A_68, %get3A_69] : memref<128x1xf32, #tpu.memory_space<vmem>>, vector<128x1xf32>
      %mul3A_71 = vector.broadcast %get3A_70 : vector<128x1xf32> to vector<128x768xf32>
      %mul3A_72 = arith.mulf %dot_general3A_67, %mul3A_71 : vector<128x768xf32>
      %swap3A = arith.constant 0 : index
      %swap3A_73 = arith.constant 0 : index
      %swap3A_74 = vector.load %arg6[%swap3A, %swap3A_73] : memref<128x768xf32, #tpu.memory_space<vmem>>, vector<128x768xf32>
      tpu.vector_store %arg6[%swap3A, %swap3A_73], %mul3A_72 {strides = array<i32>} : memref<128x768xf32, #tpu.memory_space<vmem>>, vector<128x768xf32>,
    } else {
    }
    return
  }
  func.func @transform_0(%arg0: i32, %arg1: memref<34xi32, #tpu.memory_space<smem>>) -> (i32, i32) {
    %get3A = arith.constant 32 : index
    %get3A_0 = memref.load %arg1[%get3A] : memref<34xi32, #tpu.memory_space<smem>>
    %sub3A = arith.constant 1 : i32
    %sub3A_1 = arith.subi %get3A_0, %sub3A : i32
    %min3A = arith.minsi %arg0, %sub3A_1 : i32
    %c0_i32 = arith.constant 0 : i32
    %c0_i32_2 = arith.constant 0 : i32
    return %min3A, %c0_i32 : i32, i32
  }
  func.func @transform_1(%arg0: i32, %arg1: memref<34xi32, #tpu.memory_space<smem>>) -> (i32, i32, i32) {
    %get3A = arith.index_cast %arg0 : i32 to index
    %get3A_0 = memref.load %arg1[%get3A] : memref<34xi32, #tpu.memory_space<smem>>
    %c0_i32 = arith.constant 0 : i32
    %c0_i32_1 = arith.constant 0 : i32
    %c0_i32_2 = arith.constant 0 : i32
    return %get3A_0, %c0_i32, %c0_i32_1 : i32, i32, i32
  }
  func.func @transform_2(%arg0: i32, %arg1: memref<34xi32, #tpu.memory_space<smem>>) -> (i32, i32, i32) {
    %get3A = arith.index_cast %arg0 : i32 to index
    %get3A_0 = memref.load %arg1[%get3A] : memref<34xi32, #tpu.memory_space<smem>>
    %c0_i32 = arith.constant 0 : i32
    %c0_i32_1 = arith.constant 0 : i32
    %c0_i32_2 = arith.constant 0 : i32
    return %get3A_0, %c0_i32, %c0_i32_1 : i32, i32, i32
  }
  func.func @transform_3(%arg0: i32, %arg1: memref<34xi32, #tpu.memory_space<smem>>) -> (i32, i32) {
    %get3A = arith.constant 32 : index
    %get3A_0 = memref.load %arg1[%get3A] : memref<34xi32, #tpu.memory_space<smem>>
    %sub3A = arith.constant 1 : i32
    %sub3A_1 = arith.subi %get3A_0, %sub3A : i32
    %min3A = arith.minsi %arg0, %sub3A_1 : i32
    %c0_i32 = arith.constant 0 : i32
    %c0_i32_2 = arith.constant 0 : i32
    return %min3A, %c0_i32 : i32, i32
  }
  func.func @transform_4(%arg0: i32, %arg1: memref<34xi32, #tpu.memory_space<smem>>) -> (i32, i32) {
    %get3A = arith.constant 32 : index
    %get3A_0 = memref.load %arg1[%get3A] : memref<34xi32, #tpu.memory_space<smem>>
    %sub3A = arith.constant 1 : i32
    %sub3A_1 = arith.subi %get3A_0, %sub3A : i32
    %min3A = arith.minsi %arg0, %sub3A_1 : i32
    %c0_i32 = arith.constant 0 : i32
    %c0_i32_2 = arith.constant 0 : i32
    return %min3A, %c0_i32 : i32, i32
  }
}

</mosaic_0001>

<sc_bundles>
// kernel: sc_gather_tok.3.cloned.1.call-start
scs
__scs_entry_jumppad:
0x0: {  	(pc) =	sbr.rel $0x88, $3  }
0x1: {  	(tag) =	ssettag $0x0;
	lr =	simm.s32 $0x1  }
0x2: {  	[smem:$0x3F9D] =	sst lr;
	_ =	strace $0xD0000000  }
0x3: {  	_ = 	snop  }
0x4: {  	_ = 	snop  }
0x5: {  	_ = 	snop  }
0x6: {  	_ = 	snop  }
0x7: {  	_ = 	snop  }
__scs_overlays_trampoline_lowered:
0x8: {  	[smem:$0x3FAC] =	sst s0  }
0x9: {  	[smem:$0x3FAD] =	sst s1  }
0xa: {  	[smem:$0x3FAE] =	sst s2  }
0xb: {  	[smem:$0x3FAF] =	sst s3  }
0xc: {  	[smem:$0x3FB0] =	sst s4  }
0xd: {  	[smem:$0x3FB1] =	sst s5  }
0xe: {  	[smem:$0x3FB2] =	sst s6  }
0xf: {  	[smem:$0x3FB3] =	sst s7  }
0x10: {  	[smem:$0x3FB4] =	sst s8  }
0x11: {  	[smem:$0x3FB5] =	sst s9;
	s0 =	simm.s32 @!p0 $0x0  }
0x12: {  	s1 =	sld [smem:$0x3F9B];
	s0 =	simm.s32 @p0 $0x1  }
0x13: {  	[smem:$0x3FB6] =	sst s0;
	s0 =	simm.s32 @!p1 $0x0  }
0x14: {  	s2 =	sld [smem:$0x3F9A];
	s0 =	simm.s32 @p1 $0x1  }
0x15: {  	[smem:$0x3FB7] =	sst s0;
	s0 =	simm.s32 @!p2 $0x0  }
0x16: {  	s3 =	sld [smem:$0x3FDB];
	s0 =	simm.s32 @p2 $0x1  }
0x17: {  	s4 =	simm.s32 $0x1BF5;
	[smem:$0x3FB9] =	sst s0  }
0x18: {  	s0 =	sld [smem:$0x3F9C];
	_ =	swait.ge [sflag:s4], $0x0  }
0x19: {  	s7 =	sld [smem:$0x3F9D]  }
0x1a: {  	s8 =	sadd.s32 $0xFFFFE003, lr  }
0x1b: {  	s9 =	sadd.s32 $0xFFFFFEF7, lr;
	s5 =	simm.s32 $0xFFFFFFFF;
	p2 =	slt.u32 s8, $0xFFFFF086  }
0x1c: {  	p1 =	slt.u32 s9, $0xF7A;
	s5 =	simm.s32 @!p2 $0x0  }
0x1d: {  	s5 =	simm.s32 @p1 $0x1;
	p0 =	seq.s32 s7, s2  }
0x1e: {  	s7 =	smul.u32 @!p0 $0xF7A, s2;
	p2 =	seq.s32 @!p0 s5, $0x0  }
0x1f: {  	s9 =	smul.u32 $0xF7A, s1;
	s8 =	simm.s32 @!p0 $0x1BF5;
	p2 =	por !p2, p0  }
0x20: {  	[sflag:s8] =	ssyncset.s32 @!p0 $0xFFFFF086;
	s6 =	sadd.s32 @!p0 s3, s7;
	s7 =	simm.s32 @!p0 $0x108  }
0x21: {  	s3 =	sadd.s32 s3, s9;
	s6 =	sadd.s32 @!p0 $0x88, s6;
	s7 =	simm.s32 @p2 $0x1082  }
0x22: {  	[simem:s7], [sflag:s8] =	dma.local @!p0 [hbm:s6], $0xF7A  }
0x23: {  	s9 =	sor.u32 $0xD0000000, s2;
	s6 =	simm.s32 $0x108;
	_ =	swait.ge @!p0 [sflag:s8], $0x0  }
0x24: {  	s3 =	sadd.s32 $0x88, s3;
	s6 =	simm.s32 @!p1 $0x1082;
	[sflag:s4] =	ssyncset.s32 $0xFFFFF086  }
0x25: {  	[simem:s6], [sflag:s4] =	dma.local [hbm:s3], $0xF7A  }
0x26: {  	[smem:$0x3F9D] =	sst s1;
	(tag) =	ssettag s2;
	_ =	strace s9  }
0x27: {  	s1 =	sld [smem:$0x3FAD]  }
0x28: {  	s2 =	sld [smem:$0x3FAE]  }
0x29: {  	s4 =	sld [smem:$0x3FB0]  }
0x2a: {  	p0 =	seq.s32 s5, $0x0;
	s5 =	sld [smem:$0x3FB1]  }
0x2b: {  	s6 =	sld [smem:$0x3FB2]  }
0x2c: {  	s7 =	sld [smem:$0x3FB3]  }
0x2d: {  	s3 =	simm.s32 $0x108;
	s8 =	sld [smem:$0x3FB4]  }
0x2e: {  	s3 =	simm.s32 @!p0 $0x1082;
	s9 =	sld [smem:$0x3FB5]  }
0x2f: {  	lr =	sadd.s32 s0, s3;
	s0 =	sld [smem:$0x3FAC]  }
0x30: {  	s3 =	sld [smem:$0x3FAF]  }
0x31: {  	[smem:$0x3FB8] =	sst s10  }
0x32: {  	s10 =	sld [smem:$0x3FB6];
	_ =	sdelay $0x3  }
0x33: {  	p0 =	seq.s32 s10, $0x1;
	s10 =	sld [smem:$0x3FB8];
	_ =	sdelay $0x3  }
0x34: {  	[smem:$0x3FB8] =	sst s10  }
0x35: {  	s10 =	sld [smem:$0x3FB7];
	_ =	sdelay $0x3  }
0x36: {  	p1 =	seq.s32 s10, $0x1;
	s10 =	sld [smem:$0x3FB8];
	_ =	sdelay $0x3  }
0x37: {  	[smem:$0x3FB8] =	sst s10  }
0x38: {  	s10 =	sld [smem:$0x3FB9]  }
0x39: {  	_ = 	snop;
	(pc) =	sbr.ind lr, $3  }
0x3a: {  	_ = 	snop  }
0x3b: {  	_ = 	snop  }
0x3c: {  	p2 =	seq.s32 s10, $0x1;
	s10 =	sld [smem:$0x3FB8]  }
0x3d: {  	_ =	shalt  }
0x3e: {  	_ =	shalt  }
0x3f: {  	_ =	shalt  }
0x40: {  	_ =	shalt  }
0x41: {  	_ =	shalt  }
0x42: {  	_ =	shalt  }
0x43: {  	_ =	shalt  }
0x44: {  	_ =	shalt  }
0x45: {  	_ =	shalt  }
0x46: {  	_ =	shalt  }
0x47: {  	_ =	shalt  }
0x48: {  	_ =	shalt  }
0x49: {  	_ =	shalt  }
0x4a: {  	_ =	shalt  }
0x4b: {  	_ =	shalt  }
0x4c: {  	_ =	shalt  }
0x4d: {  	_ =	shalt  }
0x4e: {  	_ =	shalt  }
0x4f: {  	_ =	shalt  }
0x50: {  	_ =	shalt  }
0x51: {  	_ =	shalt  }
0x52: {  	_ =	shalt  }
0x53: {  	_ =	shalt  }
0x54: {  	_ =	shalt  }
0x55: {  	_ =	shalt  }
0x56: {  	_ =	shalt  }
0x57: {  	_ =	shalt  }
0x58: {  	_ =	shalt  }
0x59: {  	_ =	shalt  }
0x5a: {  	_ =	shalt  }
0x5b: {  	_ =	shalt  }
0x5c: {  	_ =	shalt  }
0x5d: {  	_ =	shalt  }
0x5e: {  	_ =	shalt  }
0x5f: {  	_ =	shalt  }
0x60: {  	_ =	shalt  }
0x61: {  	_ =	shalt  }
0x62: {  	_ =	shalt  }
0x63: {  	_ =	shalt  }
0x64: {  	_ =	shalt  }
0x65: {  	_ =	shalt  }
0x66: {  	_ =	shalt  }
0x67: {  	_ =	shalt  }
0x68: {  	_ =	shalt  }
0x69: {  	_ =	shalt  }
0x6a: {  	_ =	shalt  }
0x6b: {  	_ =	shalt  }
0x6c: {  	_ =	shalt  }
0x6d: {  	_ =	shalt  }
0x6e: {  	_ =	shalt  }
0x6f: {  	_ =	shalt  }
0x70: {  	_ =	shalt  }
0x71: {  	_ =	shalt  }
0x72: {  	_ =	shalt  }
0x73: {  	_ =	shalt  }
0x74: {  	_ =	shalt  }
0x75: {  	_ =	shalt  }
0x76: {  	_ =	shalt  }
0x77: {  	_ =	shalt  }
0x78: {  	_ =	shalt  }
0x79: {  	_ =	shalt  }
0x7a: {  	_ =	shalt  }
0x7b: {  	_ =	shalt  }
0x7c: {  	_ =	shalt  }
0x7d: {  	_ =	shalt  }
0x7e: {  	_ =	shalt  }
0x7f: {  	_ =	shalt  }
0x80: {  	_ =	shalt  }
0x81: {  	_ =	shalt  }
0x82: {  	_ =	shalt  }
0x83: {  	_ =	shalt  }
0x84: {  	_ =	shalt  }
0x85: {  	_ =	shalt  }
0x86: {  	_ =	shalt  }
0x87: {  	_ =	shalt  }
.Lfunc_end0:
.L_simem_size_0:
called_computation.1_lowered:
.L_overlay_start_0:
0x88: {  	s2 =	sld [smem:$0x3FD9]  }
0x89: {  	s3 =	sld [smem:$0x3FFE];
	_ =	sdelay $0x1  }
0x8a: {  	s1 =	srdreg.scid  }
0x8b: {  	s0 =	sand.u32 $0x1, s1  }
0x8c: {  	s14 =	sshll.u32 s0, $0xA;
	s2 =	sadd.s32 s3, s2  }
0x8d: {  	s2 =	sadd.s32 s2, s14  }
0x8e: {  	[smem:$0x3FC4] =	sst s2  }
0x8f: {  	_ = 	snop  }
0x90: {  	s2 =	sld [smem:$0x3FD0];
	_ =	sdelay $0x2  }
0x91: {  	s15 =	simm.s32 $0xA;
	s4 =	simm.s32 $0x10  }
0x92: {  	[smem:s4], [sflag:s15] =	dma.local [hbm:s2], $0x1  }
0x93: {  	_ =	swait.eq [sflag:s15], $0x1  }
0x94: {  	[sflag:s15] =	ssyncset.done $0x0  }
0x95: {  	[sflag:s15] =	ssyncadd.s32 $0xFFFFFFFF  }
0x96: {  	s16 =	sld [smem:$0x10];
	(tm) =	ssettm $0x1  }
0x97: {  	s17 =	sld [smem:$0x3FFB];
	_ =	sdelay $0x3  }
0x98: {  	_ =	strace s17  }
0x99: {  	s3 =	sld [smem:$0x3FFC];
	_ =	sdelay $0x3  }
0x9a: {  	_ =	strace s3  }
0x9b: {  	s3 =	sld [smem:$0x3FFD];
	_ =	sdelay $0x3  }
0x9c: {  	_ =	strace s3  }
0x9d: {  	_ =	strace $0x8FFFFFFF  }
0x9e: {  	s18 =	sld [smem:$0x3FDB];
	_ =	sdelay $0x1  }
0x9f: {  	s19 =	simm.s32 $_scs_section_size  }
0xa0: {  	s5 =	simm.s32 $_size__tile_overlayer_lowered;
	s6 =	simm.s32 $_tile_overlayer_lowered  }
0xa1: {  	s22 =	simm.s32 $0x1BFF;
	s21 =	sshll.u32 s6, $0x1;
	s3 =	sadd.s32 s19, s18  }
0xa2: {  	s7 =	simm.s32 $0x0;
	s20 =	sshll.u32 s5, $0x1;
	s5 =	sadd.s32 s21, s3  }
0xa3: {  	[timem:s7], [sflag:s22] =	dma.local [hbm:s5], s20  }
0xa4: {  	_ =	swait.ge [sflag:s22], s20  }
0xa5: {  	s4 =	ssub.s32 $0x0, s20;
	[sflag:s22] =	ssyncset.done $0x0  }
0xa6: {  	[sflag:s22] =	ssyncadd.s32 s4;
	_ =	sdelay $0x1  }
0xa7: {  	s23 =	simm.s32 $0x1B8B  }
0xa8: {  	_ =	swait.ge [sflag:s23], $0x1  }
0xa9: {  	[sflag:s23] =	ssyncset.done $0x0  }
0xaa: {  	s25 =	simm.s32 $0x1B8E;
	s24 =	sld [smem:$0x3FFE];
	[sflag:s23] =	ssyncadd.s32 $0xFFFFFFFF  }
0xab: {  	s26 =	simm.s32 $execute0_lowered;
	[smem:$0x3FD2] =	sst s25  }
0xac: {  	s5 =	sshll.u32 s26, $0x1;
	_ =	strace $0x80000049;
	[dreg:$0x1] =	wrdreg $0xFFFFFFFF  }
0xad: {  	s28 =	simm.s32 $_size_execute0_lowered;
	s3 =	sadd.s32 s3, s5;
	[dreg:$0x0] =	wrdreg $0x0  }
0xae: {  	s5 =	sshll.u32 s28, $0x1;
	[dreg:$0x2] =	wrdreg s3  }
0xaf: {  	[dreg:$0x3] =	wrdreg s5  }
0xb0: {  	[dreg:$0x4] =	wrdreg $0xC0  }
0xb1: {  	_ =	task [dreg:s7], $0x5FFFF  }
0xb2: {  	[dreg:$0x1] =	wrdreg $0xFFFFFFFF  }
0xb3: {  	[dreg:$0x0] =	wrdreg $0x60  }
0xb4: {  	[dreg:$0x2] =	wrdreg s24  }
0xb5: {  	[dreg:$0x3] =	wrdreg s16  }
0xb6: {  	[dreg:$0x4] =	wrdreg $0x9  }
0xb7: {  	_ =	task.clear_ibuf [dreg:s7], $0x5FFFF;
	_ =	strace $0x90000049  }
0xb8: {  	s29 =	simm.s32 $0x9;
	_ =	strace $0x8000004B  }
0xb9: {  	_ =	swait.ge [sflag:s29], $0x1  }
0xba: {  	[sflag:s29] =	ssyncadd.s32 $0xFFFFFFFF  }
0xbb: {  	_ =	strace $0x9000004B  }
0xbc: {  	_ =	sfence  }
0xbd: {  	s30 =	sld [smem:$0x0];
	_ =	sdelay $0x2  }
0xbe: {  	s31 =	sshll.u32 s1, $0xD;
	s1 =	sshrl.u32 s1, $0x2  }
0xbf: {  	s3 =	sand.u32 $0x4000, s31;
	s1 =	sadd.s32 s1, s30  }
0xc0: {  	s0 =	sor.u32 s3, s0;
	s1 =	sshll.u32 s1, $0x11  }
0xc1: {  	s0 =	sor.u32 s1, s0  }
0xc2: {  	s0 =	sadd.s32 $0x8F2B, s0  }
0xc3: {  	[sflag:s0] =	ssyncadd.remote.s32 $0x1  }
0xc4: {  	_ =	sfence.sel $0xFFFF  }
0xc5: {  	[dreg:$0x0] =	wrdreg $0xFFFFFFFF;
	(pc) =	sbr.abs _section_cstart, $3  }
0xc6: {  	[dreg:$0x1] =	wrdreg $0xFFFFFFFF  }
0xc7: {  	_ =	task.clear_ibuf [dreg:s7], $0x2FFFF;
	_ =	strace $0x9FFFFFFF  }
0xc8: {  	(tm) =	ssettm $0x7FFFFFFF  }
0xc9: {  	_ =	shalt  }
tec
execute0_lowered:
.L_overlay_start_1:
0x0: {  	(tag) =	ssettag $0x1  }
0x1: {  	s0 =	rddreg [dreg:$0x0]  }
0x2: {  	s5 =	rddreg [dreg:$0x1];
	s3 =	srdreg.scid  }
0x3: {  	s2 =	simm.s32 $0x0;
	s1 =	stileid.u32;
	s26 =	simm.s32 $0x880  }
0x4: {  	s10 =	simm.s32 $0x1880;
	s11 =	simm.s32 $0x2080;
	s12 =	simm.s32 $0x2880  }
0x5: {  	s13 =	simm.s32 $0x3080;
	s14 =	simm.s32 $0x3880;
	s15 =	simm.s32 $0x4080  }
0x6: {  	s16 =	simm.s32 $0x4880;
	s17 =	simm.s32 $0x5080;
	s18 =	simm.s32 $0x5880  }
0x7: {  	s19 =	simm.s32 $0x6080;
	s20 =	simm.s32 $0x6880;
	s21 =	simm.s32 $0x7080  }
0x8: {  	s22 =	simm.s32 $0x7880;
	s28 =	simm.s32 $0xA080;
	s29 =	simm.s32 $0xA880  }
0x9: {  	s30 =	simm.s32 $0xB080;
	s31 =	simm.s32 $0xB880;
	s3 =	sand.u32 $0x1, s3  }
0xa: {  	[smem:$0x7FF] =	sst s2;
	s4 =	sshll.u32 s1, $0x4;
	s6 =	sshll.u32 s3, $0x3  }
0xb: {  	_ =	strace $0x8000004A;
	s23 =	ssub.s32 $0x2, s3;
	s3 =	sadd.s32 $0x400, s0  }
0xc: {  	[dreg:$0x5] =	wrdreg s26;
	s26 =	simm.s32 $0x9880;
	s4 =	sor.u32 s6, s4  }
0xd: {  	s8 =	sshrl.u32 s23, $0x1;
	s7 =	sadd.s32 s4, s0;
	s9 =	smul.u32 $0x300, s4  }
0xe: {  	s6 =	ssub.s32 s23, s8;
	s4 =	sadd.s32 $0x500, s0;
	s8 =	simm.s32 $0x80  }
0xf: {  	s23 =	simm.s32 $0x8080;
	s24 =	sadd.s32 $0x200, s7;
	s6 =	smax.u32 s6, $0x1  }
0x10: {  	v2 =	vlaneseq.u32;
	s7 =	simm.s32 $0x2;
	[dreg:$0x3] =	wrdreg s24;
	s25 =	sadd.s32 s5, s9  }
0x11: {  	vm0 =	vmmov $0xffff;
	v1 =	vshrl.u32 v2, $0x3;
	s5 =	sadd.s32 $0x600, s0;
	s9 =	simm.s32 $0x1080;
	s24 =	simm.s32 $0x8880  }
0x12: {  	v0 =	vand.u32 $0x7, v2;
	v2 =	vor.u32 $0x8, v2;
	v1 =	vmul.u32 $0x8, v1;
	s0 =	simm.s32 $0x1;
	[dreg:$0x4] =	wrdreg s25;
	s25 =	simm.s32 $0x9080  }
.LBB2_1:
0x13: {  	s1 =	rddreg [dreg:$0x3]  }
0x14: {  	[tilespmem:s2], [sflag:$0x2] =	stream.linear.gather [hbm4b:s1+s2], $0x40, $0x38;
	[tilespmem:$0xC080] =	vst v63  }
0x15: {  	_ =	swait.ge [sflag:s7], $0x40  }
0x16: {  	[sflag:s7] =	ssyncset.done $0x0  }
0x17: {  	[sflag:s7] =	ssyncadd.s32 $0xFFFFFFC0  }
0x18: {  	v3 =	vld [tilespmem:$0x0];
	_ =	sdelay $0x4  }
0x19: {  	v4 =	vshrl.u32 v3, $0x3  }
0x1a: {  	v4 =	vmul.u32 $0x30, v4  }
0x1b: {  	v3 =	vand.u32 $0x7, v3  }
0x1c: {  	v3 =	vor.u32 v3, v4  }
0x1d: {  	v4 =	vperm.xlane v3, v0;
	_ =	sdelay $0x1  }
0x1e: {  	v4 =	vadd.s32 v1, v4;
	_ =	sdelay $0x3  }
0x1f: {  	v3 =	vperm.xlane v3, v2  }
0x20: {  	[tilespmem:s8], [sflag:$0x1] =	stream.indirect_vreg.gather [hbm4b:s3+s2], $0x80, v4, vm0, $0xb8;
	[tilespmem:$0xC080] =	vst v63  }
0x21: {  	s1 =	rddreg [dreg:$0x5];
	v3 =	vadd.s32 v1, v3  }
0x22: {  	[tilespmem:s1], [sflag:$0x1] =	stream.indirect_vreg.gather [hbm4b:s4+s2], $0x80, v4, vm0, $0xb8;
	[tilespmem:$0xC080] =	vst v63  }
0x23: {  	_ = 	snop  }
0x24: {  	[tilespmem:s9], [sflag:$0x1] =	stream.indirect_vreg.gather [hbm4b:s5+s2], $0x80, v4, vm0, $0xb8;
	[tilespmem:$0xC080] =	vst v63  }
0x25: {  	_ = 	snop  }
0x26: {  	[tilespmem:s10], [sflag:$0x1] =	stream.indirect_vreg.gather [hbm4b:s3+s2], $0x80, v3, vm0, $0xb8;
	[tilespmem:$0xC080] =	vst v63  }
0x27: {  	_ = 	snop  }
0x28: {  	[tilespmem:s11], [sflag:$0x1] =	stream.indirect_vreg.gather [hbm4b:s4+s2], $0x80, v3, vm0, $0xb8;
	[tilespmem:$0xC080] =	vst v63  }
0x29: {  	_ = 	snop  }
0x2a: {  	[tilespmem:s12], [sflag:$0x1] =	stream.indirect_vreg.gather [hbm4b:s5+s2], $0x80, v3, vm0, $0xb8;
	[tilespmem:$0xC080] =	vst v63  }
0x2b: {  	v3 =	vld [tilespmem:$0x10];
	_ =	sdelay $0x4  }
0x2c: {  	v61 =	vshrl.u32 v3, $0x3  }
0x2d: {  	v4 =	vmul.u32 $0x30, v61  }
0x2e: {  	v3 =	vand.u32 $0x7, v3  }
0x2f: {  	v3 =	vor.u32 v3, v4  }
0x30: {  	v4 =	vperm.xlane v3, v0;
	_ =	sdelay $0x1  }
0x31: {  	v4 =	vadd.s32 v1, v4;
	_ =	sdelay $0x3  }
0x32: {  	v3 =	vperm.xlane v3, v2  }
0x33: {  	[tilespmem:s13], [sflag:$0x1] =	stream.indirect_vreg.gather [hbm4b:s3+s2], $0x80, v4, vm0, $0xb8;
	[tilespmem:$0xC080] =	vst v63  }
0x34: {  	v3 =	vadd.s32 v1, v3  }
0x35: {  	[tilespmem:s14], [sflag:$0x1] =	stream.indirect_vreg.gather [hbm4b:s4+s2], $0x80, v4, vm0, $0xb8;
	[tilespmem:$0xC080] =	vst v63  }
0x36: {  	_ = 	snop  }
0x37: {  	[tilespmem:s15], [sflag:$0x1] =	stream.indirect_vreg.gather [hbm4b:s5+s2], $0x80, v4, vm0, $0xb8;
	[tilespmem:$0xC080] =	vst v63  }
0x38: {  	_ = 	snop  }
0x39: {  	[tilespmem:s16], [sflag:$0x1] =	stream.indirect_vreg.gather [hbm4b:s3+s2], $0x80, v3, vm0, $0xb8;
	[tilespmem:$0xC080] =	vst v63  }
0x3a: {  	_ = 	snop  }
0x3b: {  	[tilespmem:s17], [sflag:$0x1] =	stream.indirect_vreg.gather [hbm4b:s4+s2], $0x80, v3, vm0, $0xb8;
	[tilespmem:$0xC080] =	vst v63  }
0x3c: {  	_ = 	snop  }
0x3d: {  	[tilespmem:s18], [sflag:$0x1] =	stream.indirect_vreg.gather [hbm4b:s5+s2], $0x80, v3, vm0, $0xb8;
	[tilespmem:$0xC080] =	vst v63  }
0x3e: {  	v3 =	vld [tilespmem:$0x20];
	_ =	sdelay $0x4  }
0x3f: {  	v62 =	vshrl.u32 v3, $0x3  }
0x40: {  	v4 =	vmul.u32 $0x30, v62  }
0x41: {  	v3 =	vand.u32 $0x7, v3  }
0x42: {  	v3 =	vor.u32 v3, v4  }
0x43: {  	v4 =	vperm.xlane v3, v0;
	_ =	sdelay $0x1  }
0x44: {  	v4 =	vadd.s32 v1, v4;
	_ =	sdelay $0x3  }
0x45: {  	v3 =	vperm.xlane v3, v2  }
0x46: {  	[tilespmem:s19], [sflag:$0x1] =	stream.indirect_vreg.gather [hbm4b:s3+s2], $0x80, v4, vm0, $0xb8;
	[tilespmem:$0xC080] =	vst v63  }
0x47: {  	v3 =	vadd.s32 v1, v3  }
0x48: {  	[tilespmem:s20], [sflag:$0x1] =	stream.indirect_vreg.gather [hbm4b:s4+s2], $0x80, v4, vm0, $0xb8;
	[tilespmem:$0xC080] =	vst v63  }
0x49: {  	_ = 	snop  }
0x4a: {  	[tilespmem:s21], [sflag:$0x1] =	stream.indirect_vreg.gather [hbm4b:s5+s2], $0x80, v4, vm0, $0xb8;
	[tilespmem:$0xC080] =	vst v63  }
0x4b: {  	_ = 	snop  }
0x4c: {  	[tilespmem:s22], [sflag:$0x1] =	stream.indirect_vreg.gather [hbm4b:s3+s2], $0x80, v3, vm0, $0xb8;
	[tilespmem:$0xC080] =	vst v63  }
0x4d: {  	_ = 	snop  }
0x4e: {  	[tilespmem:s23], [sflag:$0x1] =	stream.indirect_vreg.gather [hbm4b:s4+s2], $0x80, v3, vm0, $0xb8;
	[tilespmem:$0xC080] =	vst v63  }
0x4f: {  	_ = 	snop  }
0x50: {  	[tilespmem:s24], [sflag:$0x1] =	stream.indirect_vreg.gather [hbm4b:s5+s2], $0x80, v3, vm0, $0xb8;
	[tilespmem:$0xC080] =	vst v63  }
0x51: {  	v3 =	vld [tilespmem:$0x30];
	_ =	sdelay $0x4  }
0x52: {  	v63 =	vshrl.u32 v3, $0x3  }
0x53: {  	v4 =	vmul.u32 $0x30, v63  }
0x54: {  	v3 =	vand.u32 $0x7, v3  }
0x55: {  	v3 =	vor.u32 v3, v4  }
0x56: {  	v4 =	vperm.xlane v3, v0;
	_ =	sdelay $0x1  }
0x57: {  	v4 =	vadd.s32 v1, v4;
	_ =	sdelay $0x3  }
0x58: {  	v3 =	vperm.xlane v3, v2  }
0x59: {  	[tilespmem:s25], [sflag:$0x1] =	stream.indirect_vreg.gather [hbm4b:s3+s2], $0x80, v4, vm0, $0xb8;
	[tilespmem:$0xC080] =	vst v63  }
0x5a: {  	v3 =	vadd.s32 v1, v3  }
0x5b: {  	[tilespmem:s26], [sflag:$0x1] =	stream.indirect_vreg.gather [hbm4b:s4+s2], $0x80, v4, vm0, $0xb8;
	[tilespmem:$0xC080] =	vst v63  }
0x5c: {  	_ = 	snop  }
0x5d: {  	[tilespmem:s28], [sflag:$0x1] =	stream.indirect_vreg.gather [hbm4b:s5+s2], $0x80, v4, vm0, $0xb8;
	[tilespmem:$0xC080] =	vst v63  }
0x5e: {  	_ = 	snop  }
0x5f: {  	[tilespmem:s29], [sflag:$0x1] =	stream.indirect_vreg.gather [hbm4b:s3+s2], $0x80, v3, vm0, $0xb8;
	[tilespmem:$0xC080] =	vst v63  }
0x60: {  	_ = 	snop  }
0x61: {  	[tilespmem:s30], [sflag:$0x1] =	stream.indirect_vreg.gather [hbm4b:s4+s2], $0x80, v3, vm0, $0xb8;
	[tilespmem:$0xC080] =	vst v63  }
0x62: {  	_ = 	snop  }
0x63: {  	[tilespmem:s31], [sflag:$0x1] =	stream.indirect_vreg.gather [hbm4b:s5+s2], $0x80, v3, vm0, $0xb8;
	[tilespmem:$0xC080] =	vst v63  }
0x64: {  	_ =	swait.ge [sflag:s0], $0xC000  }
0x65: {  	p0 =	sne.s32 s6, $0x1;
	[sflag:s0] =	ssyncset.done $0x0  }
.Ltmp0:
0x66: {  	s1 =	rddreg [dreg:$0x4];
	[sflag:s0] =	ssyncadd.s32 $0xFFFF4000;
	(pc) =	sbr.rel @p0 .LBB2_1-.Ltmp0, $4  }
0x67: {  	[hbm4b:s1+s2] =	stream.linear.scatter [tilespmem:s8], [sflag:$0x2], $0xC000, $0x38;
	[tilespmem:$0xC080] =	vst v63  }
0x68: {  	_ =	swait.ge [sflag:s7], $0xC000  }
0x69: {  	[sflag:s7] =	ssyncset.done $0x0  }
0x6a: {  	s6 =	sadd.s32 $0xFFFFFFFF, s6;
	[sflag:s7] =	ssyncadd.s32 $0xFFFF4000  }
0x6b: {  	_ =	sfence.sel $0x180000  }
0x6c: {  	[bflag:$0x0] =	sbarrier.arrive $0xFFFF  }
0x6d: {  	_ =	strace $0x9000004A  }
0x6e: {  	s0 =	stileid.u32;
	[bflag:$0x2] =	sbarrier.arrive $0xFFFF  }
0x6f: {  	p0 =	sne.s32 s0, $0x0;
	s0 =	rddreg [dreg:$0x2]  }
0x70: {  	s0 =	sadd.s32 @!p0 $0x100000, s0  }
0x71: {  	[sflag:s0] =	ssyncadd.tile.s32 @!p0 $0x1;
	_ =	shalt  }
.Lfunc_end2:
_tile_overlayer_lowered:
.L_overlay_start_2:
0x72: {  	(tag) =	ssettag $0x2  }
0x73: {  	s0 =	rddreg [dreg:$0x0];
	s2 =	stileid.u32  }
0x74: {  	s1 =	rddreg [dreg:$0x1];
	p0 =	sne.s32 s2, $0x0  }
0x75: {  	s3 =	rddreg [dreg:$0x2];
	[bflag:$0x3] =	sbarrier.arrive $0xFFFF;
	s2 =	simm.s32 @!p0 $0x1C02  }
0x76: {  	[timem:s3], [sflag:s2] =	dma.local @!p0 [hbm:s0], s1  }
0x77: {  	s0 =	simm.s32 @!p0 $0x2  }
0x78: {  	_ =	swait.ge @!p0 [sflag:s0], s1  }
0x79: {  	s1 =	ssub.s32 @!p0 $0x0, s1;
	[sflag:s0] =	ssyncset.done @!p0 $0x0  }
0x7a: {  	[sflag:s0] =	ssyncadd.s32 @!p0 s1  }
0x7b: {  	[bflag:$0x3] =	sbarrier.arrive $0xFFFF  }
0x7c: {  	_ =	shalt  }

// kernel: sc_sort_gather.3.cloned.1.call-start
scs
__scs_entry_jumppad:
0x0: {  	(pc) =	sbr.rel $0x88, $3  }
0x1: {  	(tag) =	ssettag $0x0;
	lr =	simm.s32 $0x1  }
0x2: {  	[smem:$0x3F9D] =	sst lr;
	_ =	strace $0xD0000000  }
0x3: {  	_ = 	snop  }
0x4: {  	_ = 	snop  }
0x5: {  	_ = 	snop  }
0x6: {  	_ = 	snop  }
0x7: {  	_ = 	snop  }
__scs_overlays_trampoline_lowered:
0x8: {  	[smem:$0x3FAC] =	sst s0  }
0x9: {  	[smem:$0x3FAD] =	sst s1  }
0xa: {  	[smem:$0x3FAE] =	sst s2  }
0xb: {  	[smem:$0x3FAF] =	sst s3  }
0xc: {  	[smem:$0x3FB0] =	sst s4  }
0xd: {  	[smem:$0x3FB1] =	sst s5  }
0xe: {  	[smem:$0x3FB2] =	sst s6  }
0xf: {  	[smem:$0x3FB3] =	sst s7  }
0x10: {  	[smem:$0x3FB4] =	sst s8  }
0x11: {  	[smem:$0x3FB5] =	sst s9;
	s0 =	simm.s32 @!p0 $0x0  }
0x12: {  	s1 =	sld [smem:$0x3F9B];
	s0 =	simm.s32 @p0 $0x1  }
0x13: {  	[smem:$0x3FB6] =	sst s0;
	s0 =	simm.s32 @!p1 $0x0  }
0x14: {  	s2 =	sld [smem:$0x3F9A];
	s0 =	simm.s32 @p1 $0x1  }
0x15: {  	[smem:$0x3FB7] =	sst s0;
	s0 =	simm.s32 @!p2 $0x0  }
0x16: {  	s3 =	sld [smem:$0x3FDB];
	s0 =	simm.s32 @p2 $0x1  }
0x17: {  	s4 =	simm.s32 $0x1BF5;
	[smem:$0x3FB9] =	sst s0  }
0x18: {  	s0 =	sld [smem:$0x3F9C];
	_ =	swait.ge [sflag:s4], $0x0  }
0x19: {  	s7 =	sld [smem:$0x3F9D]  }
0x1a: {  	s8 =	sadd.s32 $0xFFFFE003, lr  }
0x1b: {  	s9 =	sadd.s32 $0xFFFFFEF7, lr;
	s5 =	simm.s32 $0xFFFFFFFF;
	p2 =	slt.u32 s8, $0xFFFFF086  }
0x1c: {  	p1 =	slt.u32 s9, $0xF7A;
	s5 =	simm.s32 @!p2 $0x0  }
0x1d: {  	s5 =	simm.s32 @p1 $0x1;
	p0 =	seq.s32 s7, s2  }
0x1e: {  	s7 =	smul.u32 @!p0 $0xF7A, s2;
	p2 =	seq.s32 @!p0 s5, $0x0  }
0x1f: {  	s9 =	smul.u32 $0xF7A, s1;
	s8 =	simm.s32 @!p0 $0x1BF5;
	p2 =	por !p2, p0  }
0x20: {  	[sflag:s8] =	ssyncset.s32 @!p0 $0xFFFFF086;
	s6 =	sadd.s32 @!p0 s3, s7;
	s7 =	simm.s32 @!p0 $0x108  }
0x21: {  	s3 =	sadd.s32 s3, s9;
	s6 =	sadd.s32 @!p0 $0x88, s6;
	s7 =	simm.s32 @p2 $0x1082  }
0x22: {  	[simem:s7], [sflag:s8] =	dma.local @!p0 [hbm:s6], $0xF7A  }
0x23: {  	s9 =	sor.u32 $0xD0000000, s2;
	s6 =	simm.s32 $0x108;
	_ =	swait.ge @!p0 [sflag:s8], $0x0  }
0x24: {  	s3 =	sadd.s32 $0x88, s3;
	s6 =	simm.s32 @!p1 $0x1082;
	[sflag:s4] =	ssyncset.s32 $0xFFFFF086  }
0x25: {  	[simem:s6], [sflag:s4] =	dma.local [hbm:s3], $0xF7A  }
0x26: {  	[smem:$0x3F9D] =	sst s1;
	(tag) =	ssettag s2;
	_ =	strace s9  }
0x27: {  	s1 =	sld [smem:$0x3FAD]  }
0x28: {  	s2 =	sld [smem:$0x3FAE]  }
0x29: {  	s4 =	sld [smem:$0x3FB0]  }
0x2a: {  	p0 =	seq.s32 s5, $0x0;
	s5 =	sld [smem:$0x3FB1]  }
0x2b: {  	s6 =	sld [smem:$0x3FB2]  }
0x2c: {  	s7 =	sld [smem:$0x3FB3]  }
0x2d: {  	s3 =	simm.s32 $0x108;
	s8 =	sld [smem:$0x3FB4]  }
0x2e: {  	s3 =	simm.s32 @!p0 $0x1082;
	s9 =	sld [smem:$0x3FB5]  }
0x2f: {  	lr =	sadd.s32 s0, s3;
	s0 =	sld [smem:$0x3FAC]  }
0x30: {  	s3 =	sld [smem:$0x3FAF]  }
0x31: {  	[smem:$0x3FB8] =	sst s10  }
0x32: {  	s10 =	sld [smem:$0x3FB6];
	_ =	sdelay $0x3  }
0x33: {  	p0 =	seq.s32 s10, $0x1;
	s10 =	sld [smem:$0x3FB8];
	_ =	sdelay $0x3  }
0x34: {  	[smem:$0x3FB8] =	sst s10  }
0x35: {  	s10 =	sld [smem:$0x3FB7];
	_ =	sdelay $0x3  }
0x36: {  	p1 =	seq.s32 s10, $0x1;
	s10 =	sld [smem:$0x3FB8];
	_ =	sdelay $0x3  }
0x37: {  	[smem:$0x3FB8] =	sst s10  }
0x38: {  	s10 =	sld [smem:$0x3FB9]  }
0x39: {  	_ = 	snop;
	(pc) =	sbr.ind lr, $3  }
0x3a: {  	_ = 	snop  }
0x3b: {  	_ = 	snop  }
0x3c: {  	p2 =	seq.s32 s10, $0x1;
	s10 =	sld [smem:$0x3FB8]  }
0x3d: {  	_ =	shalt  }
0x3e: {  	_ =	shalt  }
0x3f: {  	_ =	shalt  }
0x40: {  	_ =	shalt  }
0x41: {  	_ =	shalt  }
0x42: {  	_ =	shalt  }
0x43: {  	_ =	shalt  }
0x44: {  	_ =	shalt  }
0x45: {  	_ =	shalt  }
0x46: {  	_ =	shalt  }
0x47: {  	_ =	shalt  }
0x48: {  	_ =	shalt  }
0x49: {  	_ =	shalt  }
0x4a: {  	_ =	shalt  }
0x4b: {  	_ =	shalt  }
0x4c: {  	_ =	shalt  }
0x4d: {  	_ =	shalt  }
0x4e: {  	_ =	shalt  }
0x4f: {  	_ =	shalt  }
0x50: {  	_ =	shalt  }
0x51: {  	_ =	shalt  }
0x52: {  	_ =	shalt  }
0x53: {  	_ =	shalt  }
0x54: {  	_ =	shalt  }
0x55: {  	_ =	shalt  }
0x56: {  	_ =	shalt  }
0x57: {  	_ =	shalt  }
0x58: {  	_ =	shalt  }
0x59: {  	_ =	shalt  }
0x5a: {  	_ =	shalt  }
0x5b: {  	_ =	shalt  }
0x5c: {  	_ =	shalt  }
0x5d: {  	_ =	shalt  }
0x5e: {  	_ =	shalt  }
0x5f: {  	_ =	shalt  }
0x60: {  	_ =	shalt  }
0x61: {  	_ =	shalt  }
0x62: {  	_ =	shalt  }
0x63: {  	_ =	shalt  }
0x64: {  	_ =	shalt  }
0x65: {  	_ =	shalt  }
0x66: {  	_ =	shalt  }
0x67: {  	_ =	shalt  }
0x68: {  	_ =	shalt  }
0x69: {  	_ =	shalt  }
0x6a: {  	_ =	shalt  }
0x6b: {  	_ =	shalt  }
0x6c: {  	_ =	shalt  }
0x6d: {  	_ =	shalt  }
0x6e: {  	_ =	shalt  }
0x6f: {  	_ =	shalt  }
0x70: {  	_ =	shalt  }
0x71: {  	_ =	shalt  }
0x72: {  	_ =	shalt  }
0x73: {  	_ =	shalt  }
0x74: {  	_ =	shalt  }
0x75: {  	_ =	shalt  }
0x76: {  	_ =	shalt  }
0x77: {  	_ =	shalt  }
0x78: {  	_ =	shalt  }
0x79: {  	_ =	shalt  }
0x7a: {  	_ =	shalt  }
0x7b: {  	_ =	shalt  }
0x7c: {  	_ =	shalt  }
0x7d: {  	_ =	shalt  }
0x7e: {  	_ =	shalt  }
0x7f: {  	_ =	shalt  }
0x80: {  	_ =	shalt  }
0x81: {  	_ =	shalt  }
0x82: {  	_ =	shalt  }
0x83: {  	_ =	shalt  }
0x84: {  	_ =	shalt  }
0x85: {  	_ =	shalt  }
0x86: {  	_ =	shalt  }
0x87: {  	_ =	shalt  }
.Lfunc_end0:
.L_simem_size_0:
called_computation_lowered:
.L_overlay_start_0:
0x88: {  	s2 =	sld [smem:$0x3FD9]  }
0x89: {  	s3 =	sld [smem:$0x3FFE];
	_ =	sdelay $0x1  }
0x8a: {  	s1 =	srdreg.scid  }
0x8b: {  	s0 =	sand.u32 $0x1, s1  }
0x8c: {  	s14 =	sshll.u32 s0, $0xA;
	s2 =	sadd.s32 s3, s2  }
0x8d: {  	s2 =	sadd.s32 s2, s14  }
0x8e: {  	[smem:$0x3FC4] =	sst s2  }
0x8f: {  	_ = 	snop  }
0x90: {  	s2 =	sld [smem:$0x3FD0];
	_ =	sdelay $0x2  }
0x91: {  	s4 =	simm.s32 $0xA;
	s5 =	simm.s32 $0x10;
	s15 =	sld [smem:$0x3FC9]  }
0x92: {  	[smem:s5], [sflag:s4] =	dma.local [hbm:s2], $0x1  }
0x93: {  	_ =	swait.eq [sflag:s4], $0x1  }
0x94: {  	[sflag:s4] =	ssyncset.done $0x0  }
0x95: {  	s16 =	sld [smem:$0x10];
	[sflag:s4] =	ssyncadd.s32 $0xFFFFFFFF  }
0x96: {  	s17 =	sld [smem:$0x11];
	(tm) =	ssettm $0x1  }
0x97: {  	s18 =	sld [smem:$0x3FFB];
	_ =	sdelay $0x3  }
0x98: {  	_ =	strace s18  }
0x99: {  	s5 =	sld [smem:$0x3FFC];
	_ =	sdelay $0x3  }
0x9a: {  	_ =	strace s5  }
0x9b: {  	s5 =	sld [smem:$0x3FFD];
	_ =	sdelay $0x3  }
0x9c: {  	_ =	strace s5  }
0x9d: {  	_ =	strace $0x8FFFFFFF  }
0x9e: {  	s19 =	sld [smem:$0x3FDB];
	_ =	sdelay $0x1  }
0x9f: {  	s6 =	simm.s32 $_scs_section_size  }
0xa0: {  	s7 =	simm.s32 $_size__tile_overlayer_lowered;
	s8 =	simm.s32 $_tile_overlayer_lowered  }
0xa1: {  	s22 =	simm.s32 $0x1BFF;
	s21 =	sshll.u32 s8, $0x1;
	s5 =	sadd.s32 s6, s19  }
0xa2: {  	s9 =	simm.s32 $0x0;
	s20 =	sshll.u32 s7, $0x1;
	s7 =	sadd.s32 s21, s5  }
0xa3: {  	[timem:s9], [sflag:s22] =	dma.local [hbm:s7], s20  }
0xa4: {  	_ =	swait.ge [sflag:s22], s20  }
0xa5: {  	s6 =	ssub.s32 $0x0, s20;
	[sflag:s22] =	ssyncset.done $0x0  }
0xa6: {  	[sflag:s22] =	ssyncadd.s32 s6;
	_ =	sdelay $0x1  }
0xa7: {  	s23 =	simm.s32 $0x1B8B  }
0xa8: {  	_ =	swait.ge [sflag:s23], $0x1  }
0xa9: {  	[sflag:s23] =	ssyncset.done $0x0  }
0xaa: {  	s25 =	simm.s32 $0x1B8E;
	s24 =	sld [smem:$0x3FFE];
	[sflag:s23] =	ssyncadd.s32 $0xFFFFFFFF  }
0xab: {  	s26 =	simm.s32 $execute0_lowered;
	[smem:$0x3FD2] =	sst s25  }
0xac: {  	s7 =	sshll.u32 s26, $0x1;
	_ =	strace $0x80000046;
	[dreg:$0x1] =	wrdreg $0xFFFFFFFF  }
0xad: {  	s28 =	simm.s32 $_size_execute0_lowered;
	s5 =	sadd.s32 s5, s7;
	[dreg:$0x0] =	wrdreg $0x0  }
0xae: {  	s7 =	sshll.u32 s28, $0x1;
	[dreg:$0x2] =	wrdreg s5  }
0xaf: {  	[dreg:$0x3] =	wrdreg s7  }
0xb0: {  	[dreg:$0x4] =	wrdreg $0xC0  }
0xb1: {  	_ =	task [dreg:s9], $0x5FFFF  }
0xb2: {  	[dreg:$0x1] =	wrdreg $0xFFFFFFFF  }
0xb3: {  	[dreg:$0x0] =	wrdreg $0x60  }
0xb4: {  	[dreg:$0x2] =	wrdreg s15  }
0xb5: {  	[dreg:$0x3] =	wrdreg s24  }
0xb6: {  	[dreg:$0x4] =	wrdreg s16  }
0xb7: {  	[dreg:$0x5] =	wrdreg s17  }
0xb8: {  	[dreg:$0x6] =	wrdreg $0x9  }
0xb9: {  	_ =	task.clear_ibuf [dreg:s9], $0x7FFFF;
	_ =	strace $0x90000046  }
0xba: {  	s29 =	simm.s32 $0x9;
	_ =	strace $0x80000048  }
0xbb: {  	_ =	swait.ge [sflag:s29], $0x1  }
0xbc: {  	[sflag:s29] =	ssyncadd.s32 $0xFFFFFFFF  }
0xbd: {  	_ =	strace $0x90000048  }
0xbe: {  	_ =	sfence  }
0xbf: {  	s30 =	sld [smem:$0x0];
	_ =	sdelay $0x2  }
0xc0: {  	s31 =	sshll.u32 s1, $0xD;
	s1 =	sshrl.u32 s1, $0x2  }
0xc1: {  	s3 =	sand.u32 $0x4000, s31;
	s1 =	sadd.s32 s1, s30  }
0xc2: {  	s0 =	sor.u32 s3, s0;
	s1 =	sshll.u32 s1, $0x11  }
0xc3: {  	s0 =	sor.u32 s1, s0  }
0xc4: {  	s0 =	sadd.s32 $0x8F2B, s0  }
0xc5: {  	[sflag:s0] =	ssyncadd.remote.s32 $0x1  }
0xc6: {  	_ =	sfence.sel $0xFFFF  }
0xc7: {  	[dreg:$0x0] =	wrdreg $0xFFFFFFFF;
	(pc) =	sbr.abs _section_cstart, $3  }
0xc8: {  	[dreg:$0x1] =	wrdreg $0xFFFFFFFF  }
0xc9: {  	_ =	task.clear_ibuf [dreg:s9], $0x2FFFF;
	_ =	strace $0x9FFFFFFF  }
0xca: {  	(tm) =	ssettm $0x7FFFFFFF  }
0xcb: {  	_ =	shalt  }
tec
execute0_lowered:
.L_overlay_start_1:
0x0: {  	(tag) =	ssettag $0x1  }
0x1: {  	s1 =	rddreg [dreg:$0x0]  }
0x2: {  	s0 =	rddreg [dreg:$0x1];
	s2 =	srdreg.scid  }
0x3: {  	s3 =	stileid.u32;
	s5 =	simm.s32 $0x0;
	s14 =	simm.s32 $0x3  }
0x4: {  	s15 =	simm.s32 $0x1000;
	s16 =	simm.s32 $0x3000;
	s22 =	simm.s32 $0xF000  }
0x5: {  	s25 =	simm.s32 $0x19000;
	s26 =	simm.s32 $0x19800;
	s28 =	simm.s32 $0x1A000  }
0x6: {  	s29 =	simm.s32 $0x1A800;
	s30 =	simm.s32 $0x2000;
	s31 =	simm.s32 $0x1  }
0x7: {  	s2 =	sand.u32 $0x1, s2;
	s3 =	sshll.u32 s3, $0x1;
	[smem:$0x7FF] =	sst s5  }
0x8: {  	s8 =	sadd.s32 $0x200, s0;
	s0 =	sadd.s32 $0x400, s0;
	s3 =	sor.u32 s2, s3  }
0x9: {  	_ =	strace $0x80000047;
	s6 =	sshll.u32 s3, $0x7;
	s4 =	smul.u32 $0x3000, s3  }
.Ltmp0:
0xa: {  	s2 =	ssub.s32 $0x2, s2;
	s7 =	sor.u32 $0x40, s6;
	(pc) =	sbr.rel .LBB2_1-.Ltmp0, $4  }
0xb: {  	s10 =	sshrl.u32 s2, $0x1;
	p0 =	sne.s32 s3, $0x0;
	s9 =	sshrl.u32 s7, $0x3  }
0xc: {  	v0 =	vlaneseq.u32;
	s2 =	ssub.s32 s2, s10;
	s10 =	sadd.s32 $0x200, s1;
	s12 =	smul.u32 $0x300, s9  }
0xd: {  	vm0 =	vmmov $0xffff;
	v2 =	vshrl.u32 v0, $0x3;
	s11 =	sadd.s32 s0, s4;
	s13 =	smax.u32 s2, $0x1;
	s2 =	simm.s32 $0x2  }
0xe: {  	v1 =	vand.u32 $0x7, v0;
	v3 =	vor.u32 $0x8, v0;
	v2 =	vmul.u32 $0x8, v2;
	s9 =	sadd.s32 $0x100, s1;
	s12 =	sadd.s32 s0, s12;
	s0 =	simm.s32 $0x0  }
.LBB2_8:
0xf: {  	_ =	sdelay $0x3  }
0x10: {  	[tilespmem:v9+s30+$0x0] =	vst.idx.msk $0xffff, v12  }
0x11: {  	[tilespmem:v4+s30+$0x0] =	vst.idx.msk $0xffff, v15  }
0x12: {  	[tilespmem:v8+s30+$0x0] =	vst.idx.msk $0xffff, v13  }
0x13: {  	[tilespmem:v6+s30+$0x0] =	vst.idx.msk $0xffff, v10  }
0x14: {  	[tilespmem:v7+s30+$0x0] =	vst.idx.msk $0xffff, v11  }
0x15: {  	[tilespmem:v5+s30+$0x0] =	vst.idx.msk $0xffff, v14;
	s3 =	rddreg [dreg:$0x3]  }
0x16: {  	[hbm4b:s3+s5] =	stream.linear.scatter [tilespmem:s30], [sflag:$0x3], $0x1000, $0x38;
	[tilespmem:$0x1B000] =	vst v63  }
0x17: {  	_ =	swait.ge [sflag:s14], $0x1000  }
0x18: {  	[sflag:s14] =	ssyncset.done $0x0  }
0x19: {  	[sflag:s14] =	ssyncadd.s32 $0xFFFFF000  }
.LBB2_9:
0x1a: {  	_ =	swait.ge [sflag:s31], $0xC000  }
0x1b: {  	[sflag:s31] =	ssyncset.done $0x0  }
0x1c: {  	[sflag:s31] =	ssyncadd.s32 $0xFFFF4000  }
0x1d: {  	[hbm4b:s11+s5] =	stream.linear.scatter [tilespmem:s16], [sflag:$0x3], $0xC000, $0x38;
	[tilespmem:$0x1B000] =	vst v63  }
0x1e: {  	_ =	swait.ge [sflag:s14], $0xC000  }
0x1f: {  	[sflag:s14] =	ssyncset.done $0x0  }
0x20: {  	[sflag:s14] =	ssyncadd.s32 $0xFFFF4000  }
0x21: {  	s0 =	sadd.s32 $0x1, s0;
	_ =	swait.ge [sflag:s2], $0xC000  }
0x22: {  	p1 =	sne.s32 s0, s13;
	[sflag:s2] =	ssyncset.done $0x0  }
.Ltmp1:
0x23: {  	[sflag:s2] =	ssyncadd.s32 $0xFFFF4000;
	(pc) =	sbr.rel @!p1 .LBB2_10-.Ltmp1, $4  }
0x24: {  	[hbm4b:s12+s5] =	stream.linear.scatter [tilespmem:s22], [sflag:$0x3], $0xC000, $0x38;
	[tilespmem:$0x1B000] =	vst v63  }
0x25: {  	_ =	swait.ge [sflag:s14], $0xC000  }
0x26: {  	[sflag:s14] =	ssyncset.done $0x0  }
0x27: {  	[sflag:s14] =	ssyncadd.s32 $0xFFFF4000  }
.LBB2_1:
0x28: {  	[tilespmem:s5], [sflag:$0x3] =	stream.linear.gather [hbm4b:s8+s5], $0x800, $0x38;
	[tilespmem:$0x1B000] =	vst v63  }
0x29: {  	s17 =	sand.u32 $0x780, s5;
	_ =	swait.ge [sflag:s14], $0x800  }
0x2a: {  	s3 =	sor.u32 $0x70, s17;
	[sflag:s14] =	ssyncset.done $0x0  }
0x2b: {  	s4 =	simm.s32 $0x1040;
	s18 =	sor.u32 $0x10, s17;
	v4 =	vor.u32 s3, v0;
	[sflag:s14] =	ssyncadd.s32 $0xFFFFF800  }
0x2c: {  	s23 =	sor.u32 $0x20, s17;
	v5 =	vor.u32 s18, v0;
	[tilespmem:s4+$0x30] =	vst v4  }
0x2d: {  	s19 =	sor.u32 $0x30, s17;
	s24 =	sor.u32 $0x40, s17;
	v6 =	vor.u32 s23, v0;
	[tilespmem:s4+$0xFFFFFFD0] =	vst v5  }
0x2e: {  	s20 =	sor.u32 $0x50, s17;
	s21 =	sor.u32 $0x60, s17;
	s3 =	simm.s32 $0x40;
	v8 =	vor.u32 s19, v0;
	v7 =	vor.u32 s24, v0;
	[tilespmem:s4+$0xFFFFFFE0] =	vst v6  }
0x2f: {  	s18 =	simm.s32 $0x0;
	s19 =	simm.s32 $0x0;
	v4 =	vor.u32 s17, v0;
	s17 =	simm.s32 $0x70;
	v6 =	vor.u32 s20, v0;
	v5 =	vor.u32 s21, v0;
	[tilespmem:s4+$0xFFFFFFF0] =	vst v8  }
.LBB2_2:
0x30: {  	[tilespmem:s4+$0x0] =	vst v7;
	s19 =	sadd.s32 $0x80, s19;
	s18 =	sadd.s32 $0x8, s18  }
0x31: {  	s20 =	sand.u32 $0x780, s19;
	[tilespmem:s4+$0x10] =	vst v6;
	p1 =	slt.u32 s18, $0xF8  }
0x32: {  	v6 =	vor.u32 s20, v0;
	s21 =	sor.u32 $0x10, s20;
	s23 =	sor.u32 $0x70, s20;
	[tilespmem:s4+$0x20] =	vst v5;
	s24 =	sor.u32 $0x30, s20  }
.Ltmp2:
0x33: {  	v5 =	vor.u32 s21, v0;
	s21 =	sor.u32 $0x20, s20;
	v7 =	vor.u32 s23, v0;
	[tilespmem:s4+$0xFFFFFFC0] =	vst v4;
	s4 =	sadd.s32 $0x80, s4;
	(pc) =	sbr.rel @p1 .LBB2_2-.Ltmp2, $4  }
0x34: {  	v9 =	vor.u32 s24, v0;
	s23 =	sor.u32 $0x50, s20;
	v4 =	vmov v6;
	v8 =	vor.u32 s21, v0;
	s21 =	sor.u32 $0x40, s20;
	s20 =	sor.u32 $0x60, s20;
	[tilespmem:s4+$0x30] =	vst v7  }
0x35: {  	v6 =	vor.u32 s23, v0;
	[tilespmem:s4+$0xFFFFFFD0] =	vst v5;
	v7 =	vor.u32 s21, v0;
	v5 =	vor.u32 s20, v0  }
0x36: {  	[tilespmem:s4+$0xFFFFFFE0] =	vst v8  }
0x37: {  	[tilespmem:s4+$0xFFFFFFF0] =	vst v9  }
0x38: {  	[tilespmem:s4+$0x0] =	vst v7  }
0x39: {  	[tilespmem:s4+$0x10] =	vst v6  }
0x3a: {  	[tilespmem:s4+$0x20] =	vst v5  }
0x3b: {  	[tilespmem:s4+$0xFFFFFFC0] =	vst v4  }
0x3c: {  	v6 =	vld [tilespmem:s3+$0x30]  }
0x3d: {  	v7 =	vld [tilespmem:s3+$0x20]  }
0x3e: {  	v14 =	vld [tilespmem:s3+$0xFFFFFFD0]  }
0x3f: {  	v8 =	vld [tilespmem:s3+$0x10]  }
0x40: {  	v9 =	vld [tilespmem:s3+$0x0]  }
0x41: {  	v10 =	vld [tilespmem:s3+$0xFFFFFFF0]  }
0x42: {  	v11 =	vld [tilespmem:s3+$0xFFFFFFE0]  }
0x43: {  	s18 =	simm.s32 $0x60;
	v12 =	vor.u32 s17, v0;
	v5 =	vld [tilespmem:s3+$0xFFFFFFC0];
	s3 =	simm.s32 $0xC0  }
0x44: {  	s24 =	simm.s32 $0x10;
	v13 =	vor.u32 s18, v0;
	v4 =	vld [tilespmem:s3+$0x30];
	[tilespmem:v6+s15+$0x0] =	vst.idx.msk $0xffff, v12  }
0x45: {  	s19 =	simm.s32 $0x50;
	v15 =	vor.u32 s24, v0;
	v6 =	vld [tilespmem:s3+$0x20];
	[tilespmem:v7+s15+$0x0] =	vst.idx.msk $0xffff, v13  }
0x46: {  	s20 =	simm.s32 $0x40;
	v12 =	vor.u32 s19, v0;
	v7 =	vld [tilespmem:s3+$0x10];
	[tilespmem:v14+s15+$0x0] =	vst.idx.msk $0xffff, v15  }
0x47: {  	s21 =	simm.s32 $0x30;
	v13 =	vor.u32 s20, v0;
	[tilespmem:v8+s15+$0x0] =	vst.idx.msk $0xffff, v12;
	v8 =	vld [tilespmem:s3+$0x0]  }
0x48: {  	s23 =	simm.s32 $0x20;
	v12 =	vor.u32 s21, v0;
	[tilespmem:v9+s15+$0x0] =	vst.idx.msk $0xffff, v13;
	v9 =	vld [tilespmem:s3+$0xFFFFFFF0]  }
0x49: {  	s4 =	simm.s32 $0xF0;
	s20 =	simm.s32 $0x0;
	v13 =	vor.u32 s23, v0;
	[tilespmem:v10+s15+$0x0] =	vst.idx.msk $0xffff, v12;
	v10 =	vld [tilespmem:s3+$0xFFFFFFE0]  }
0x4a: {  	s17 =	simm.s32 $0xE0;
	s18 =	simm.s32 $0x8;
	s19 =	simm.s32 $0x170;
	[tilespmem:v11+s15+$0x0] =	vst.idx.msk $0xffff, v13;
	v12 =	vor.u32 s4, v0;
	v11 =	vld [tilespmem:s3+$0xFFFFFFD0];
	v13 =	vor.u32 s20, v0  }
.LBB2_4:
0x4b: {  	s20 =	sadd.s32 $0xFFFFFFF0, s19;
	v14 =	vor.u32 s19, v0;
	s18 =	sadd.s32 $0x8, s18;
	[tilespmem:v5+s15+$0x0] =	vst.idx.msk $0xffff, v13;
	v5 =	vld [tilespmem:s3+$0xFFFFFFC0];
	s3 =	sadd.s32 $0x80, s3  }
0x4c: {  	s21 =	sadd.s32 $0xFFFFFFE0, s4;
	v13 =	vor.u32 s17, v0;
	p1 =	slt.u32 s18, $0x78;
	[tilespmem:v4+s15+$0x0] =	vst.idx.msk $0xffff, v12;
	v4 =	vld [tilespmem:s3+$0x30];
	v12 =	vmov v14;
	s17 =	smov.u32 s20  }
0x4d: {  	s20 =	sadd.s32 $0xFFFFFFD0, s4;
	v14 =	vor.u32 s21, v0;
	[tilespmem:v6+s15+$0x0] =	vst.idx.msk $0xffff, v13;
	v6 =	vld [tilespmem:s3+$0x20]  }
.Ltmp3:
0x4e: {  	s21 =	sadd.s32 $0xFFFFFFC0, s4;
	v13 =	vor.u32 s20, v0;
	[tilespmem:v7+s15+$0x0] =	vst.idx.msk $0xffff, v14;
	v7 =	vld [tilespmem:s3+$0x10];
	(pc) =	sbr.rel @p1 .LBB2_4-.Ltmp3, $4  }
0x4f: {  	s20 =	sadd.s32 $0xFFFFFFB0, s4;
	v14 =	vor.u32 s21, v0;
	[tilespmem:v8+s15+$0x0] =	vst.idx.msk $0xffff, v13;
	v8 =	vld [tilespmem:s3+$0x0]  }
0x50: {  	s21 =	sadd.s32 $0xFFFFFFA0, s4;
	v13 =	vor.u32 s20, v0;
	[tilespmem:v9+s15+$0x0] =	vst.idx.msk $0xffff, v14;
	v9 =	vld [tilespmem:s3+$0xFFFFFFF0]  }
0x51: {  	s20 =	sadd.s32 $0xFFFFFF90, s4;
	s4 =	smov.u32 s19;
	v14 =	vor.u32 s21, v0;
	[tilespmem:v10+s15+$0x0] =	vst.idx.msk $0xffff, v13;
	v10 =	vld [tilespmem:s3+$0xFFFFFFE0]  }
0x52: {  	s19 =	sadd.s32 $0x80, s19;
	v13 =	vor.u32 s20, v0;
	[tilespmem:v11+s15+$0x0] =	vst.idx.msk $0xffff, v14;
	v11 =	vld [tilespmem:s3+$0xFFFFFFD0]  }
0x53: {  	_ =	sdelay $0x3  }
0x54: {  	v14 =	vld [tilespmem:s3+$0xFFFFFFC0];
	[tilespmem:v5+s15+$0x0] =	vst.idx.msk $0xffff, v13  }
0x55: {  	v5 =	vor.u32 s17, v0;
	s24 =	sadd.s32 $0xFFFFFFE0, s4;
	[tilespmem:v4+s15+$0x0] =	vst.idx.msk $0xffff, v12  }
0x56: {  	s17 =	sadd.s32 $0xFFFFFFD0, s4;
	v4 =	vor.u32 s24, v0;
	[tilespmem:v6+s15+$0x0] =	vst.idx.msk $0xffff, v5  }
0x57: {  	s18 =	sadd.s32 $0xFFFFFFC0, s4;
	v5 =	vor.u32 s17, v0;
	[tilespmem:v7+s15+$0x0] =	vst.idx.msk $0xffff, v4  }
0x58: {  	s19 =	sadd.s32 $0xFFFFFFB0, s4;
	v4 =	vor.u32 s18, v0;
	[tilespmem:v8+s15+$0x0] =	vst.idx.msk $0xffff, v5  }
0x59: {  	s20 =	sadd.s32 $0xFFFFFFA0, s4;
	v5 =	vor.u32 s19, v0;
	[tilespmem:v9+s15+$0x0] =	vst.idx.msk $0xffff, v4  }
0x5a: {  	s21 =	sadd.s32 $0xFFFFFF90, s4;
	v4 =	vor.u32 s20, v0;
	[tilespmem:v10+s15+$0x0] =	vst.idx.msk $0xffff, v5  }
0x5b: {  	v5 =	vor.u32 s21, v0;
	[tilespmem:v11+s15+$0x0] =	vst.idx.msk $0xffff, v4  }
0x5c: {  	[tilespmem:v14+s15+$0x0] =	vst.idx.msk $0xffff, v5  }
0x5d: {  	v4 =	vld [tilespmem:s6+$0x1000];
	_ =	sdelay $0x4  }
0x5e: {  	v5 =	vshrl.u32 v4, $0x3  }
0x5f: {  	v5 =	vmul.u32 $0x30, v5  }
0x60: {  	v4 =	vand.u32 $0x7, v4  }
0x61: {  	v4 =	vor.u32 v4, v5  }
0x62: {  	v5 =	vperm.xlane v4, v1;
	_ =	sdelay $0x1  }
0x63: {  	v5 =	vadd.s32 v2, v5;
	_ =	sdelay $0x3  }
0x64: {  	v4 =	vperm.xlane v4, v3  }
0x65: {  	[tilespmem:s16], [sflag:$0x1] =	stream.indirect_vreg.gather [hbm4b:s1+s5], $0x80, v5, vm0, $0xb8;
	[tilespmem:$0x1B000] =	vst v63  }
0x66: {  	s23 =	simm.s32 $0x3800;
	v4 =	vadd.s32 v2, v4  }
0x67: {  	[tilespmem:s23], [sflag:$0x1] =	stream.indirect_vreg.gather [hbm4b:s9+s5], $0x80, v5, vm0, $0xb8;
	[tilespmem:$0x1B000] =	vst v63  }
0x68: {  	s24 =	simm.s32 $0x4000  }
0x69: {  	[tilespmem:s24], [sflag:$0x1] =	stream.indirect_vreg.gather [hbm4b:s10+s5], $0x80, v5, vm0, $0xb8;
	[tilespmem:$0x1B000] =	vst v63  }
0x6a: {  	s4 =	simm.s32 $0x4800  }
0x6b: {  	[tilespmem:s4], [sflag:$0x1] =	stream.indirect_vreg.gather [hbm4b:s1+s5], $0x80, v4, vm0, $0xb8;
	[tilespmem:$0x1B000] =	vst v63  }
0x6c: {  	s17 =	simm.s32 $0x5000  }
0x6d: {  	[tilespmem:s17], [sflag:$0x1] =	stream.indirect_vreg.gather [hbm4b:s9+s5], $0x80, v4, vm0, $0xb8;
	[tilespmem:$0x1B000] =	vst v63  }
0x6e: {  	s18 =	simm.s32 $0x5800  }
0x6f: {  	[tilespmem:s18], [sflag:$0x1] =	stream.indirect_vreg.gather [hbm4b:s10+s5], $0x80, v4, vm0, $0xb8;
	[tilespmem:$0x1B000] =	vst v63  }
0x70: {  	v4 =	vld [tilespmem:s6+$0x1010];
	_ =	sdelay $0x4  }
0x71: {  	v5 =	vshrl.u32 v4, $0x3  }
0x72: {  	v5 =	vmul.u32 $0x30, v5  }
0x73: {  	v4 =	vand.u32 $0x7, v4  }
0x74: {  	v4 =	vor.u32 v4, v5  }
0x75: {  	v5 =	vperm.xlane v4, v1;
	_ =	sdelay $0x1  }
0x76: {  	v5 =	vadd.s32 v2, v5;
	_ =	sdelay $0x3  }
0x77: {  	s19 =	simm.s32 $0x6000;
	v4 =	vperm.xlane v4, v3  }
0x78: {  	[tilespmem:s19], [sflag:$0x1] =	stream.indirect_vreg.gather [hbm4b:s1+s5], $0x80, v5, vm0, $0xb8;
	[tilespmem:$0x1B000] =	vst v63  }
0x79: {  	s20 =	simm.s32 $0x6800;
	v4 =	vadd.s32 v2, v4  }
0x7a: {  	[tilespmem:s20], [sflag:$0x1] =	stream.indirect_vreg.gather [hbm4b:s9+s5], $0x80, v5, vm0, $0xb8;
	[tilespmem:$0x1B000] =	vst v63  }
0x7b: {  	s21 =	simm.s32 $0x7000  }
0x7c: {  	[tilespmem:s21], [sflag:$0x1] =	stream.indirect_vreg.gather [hbm4b:s10+s5], $0x80, v5, vm0, $0xb8;
	[tilespmem:$0x1B000] =	vst v63  }
0x7d: {  	s23 =	simm.s32 $0x7800  }
0x7e: {  	[tilespmem:s23], [sflag:$0x1] =	stream.indirect_vreg.gather [hbm4b:s1+s5], $0x80, v4, vm0, $0xb8;
	[tilespmem:$0x1B000] =	vst v63  }
0x7f: {  	s24 =	simm.s32 $0x8000  }
0x80: {  	[tilespmem:s24], [sflag:$0x1] =	stream.indirect_vreg.gather [hbm4b:s9+s5], $0x80, v4, vm0, $0xb8;
	[tilespmem:$0x1B000] =	vst v63  }
0x81: {  	s4 =	simm.s32 $0x8800  }
0x82: {  	[tilespmem:s4], [sflag:$0x1] =	stream.indirect_vreg.gather [hbm4b:s10+s5], $0x80, v4, vm0, $0xb8;
	[tilespmem:$0x1B000] =	vst v63  }
0x83: {  	v4 =	vld [tilespmem:s6+$0x1020];
	_ =	sdelay $0x4  }
0x84: {  	v5 =	vshrl.u32 v4, $0x3  }
0x85: {  	v5 =	vmul.u32 $0x30, v5  }
0x86: {  	v4 =	vand.u32 $0x7, v4  }
0x87: {  	v4 =	vor.u32 v4, v5  }
0x88: {  	v5 =	vperm.xlane v4, v1;
	_ =	sdelay $0x1  }
0x89: {  	v5 =	vadd.s32 v2, v5;
	_ =	sdelay $0x3  }
0x8a: {  	s17 =	simm.s32 $0x9000;
	v4 =	vperm.xlane v4, v3  }
0x8b: {  	[tilespmem:s17], [sflag:$0x1] =	stream.indirect_vreg.gather [hbm4b:s1+s5], $0x80, v5, vm0, $0xb8;
	[tilespmem:$0x1B000] =	vst v63  }
0x8c: {  	s18 =	simm.s32 $0x9800;
	v4 =	vadd.s32 v2, v4  }
0x8d: {  	[tilespmem:s18], [sflag:$0x1] =	stream.indirect_vreg.gather [hbm4b:s9+s5], $0x80, v5, vm0, $0xb8;
	[tilespmem:$0x1B000] =	vst v63  }
0x8e: {  	s19 =	simm.s32 $0xA000  }
0x8f: {  	[tilespmem:s19], [sflag:$0x1] =	stream.indirect_vreg.gather [hbm4b:s10+s5], $0x80, v5, vm0, $0xb8;
	[tilespmem:$0x1B000] =	vst v63  }
0x90: {  	s20 =	simm.s32 $0xA800  }
0x91: {  	[tilespmem:s20], [sflag:$0x1] =	stream.indirect_vreg.gather [hbm4b:s1+s5], $0x80, v4, vm0, $0xb8;
	[tilespmem:$0x1B000] =	vst v63  }
0x92: {  	s21 =	simm.s32 $0xB000  }
0x93: {  	[tilespmem:s21], [sflag:$0x1] =	stream.indirect_vreg.gather [hbm4b:s9+s5], $0x80, v4, vm0, $0xb8;
	[tilespmem:$0x1B000] =	vst v63  }
0x94: {  	s23 =	simm.s32 $0xB800  }
0x95: {  	[tilespmem:s23], [sflag:$0x1] =	stream.indirect_vreg.gather [hbm4b:s10+s5], $0x80, v4, vm0, $0xb8;
	[tilespmem:$0x1B000] =	vst v63  }
0x96: {  	v4 =	vld [tilespmem:s6+$0x1030];
	_ =	sdelay $0x4  }
0x97: {  	v5 =	vshrl.u32 v4, $0x3  }
0x98: {  	v5 =	vmul.u32 $0x30, v5  }
0x99: {  	v4 =	vand.u32 $0x7, v4  }
0x9a: {  	v4 =	vor.u32 v4, v5  }
0x9b: {  	v5 =	vperm.xlane v4, v1;
	_ =	sdelay $0x1  }
0x9c: {  	v5 =	vadd.s32 v2, v5;
	_ =	sdelay $0x3  }
0x9d: {  	s24 =	simm.s32 $0xC000;
	v4 =	vperm.xlane v4, v3  }
0x9e: {  	[tilespmem:s24], [sflag:$0x1] =	stream.indirect_vreg.gather [hbm4b:s1+s5], $0x80, v5, vm0, $0xb8;
	[tilespmem:$0x1B000] =	vst v63  }
0x9f: {  	s4 =	simm.s32 $0xC800;
	v4 =	vadd.s32 v2, v4  }
0xa0: {  	[tilespmem:s4], [sflag:$0x1] =	stream.indirect_vreg.gather [hbm4b:s9+s5], $0x80, v5, vm0, $0xb8;
	[tilespmem:$0x1B000] =	vst v63  }
0xa1: {  	s17 =	simm.s32 $0xD000  }
0xa2: {  	[tilespmem:s17], [sflag:$0x1] =	stream.indirect_vreg.gather [hbm4b:s10+s5], $0x80, v5, vm0, $0xb8;
	[tilespmem:$0x1B000] =	vst v63  }
0xa3: {  	s18 =	simm.s32 $0xD800  }
0xa4: {  	[tilespmem:s18], [sflag:$0x1] =	stream.indirect_vreg.gather [hbm4b:s1+s5], $0x80, v4, vm0, $0xb8;
	[tilespmem:$0x1B000] =	vst v63  }
0xa5: {  	s19 =	simm.s32 $0xE000  }
0xa6: {  	[tilespmem:s19], [sflag:$0x1] =	stream.indirect_vreg.gather [hbm4b:s9+s5], $0x80, v4, vm0, $0xb8;
	[tilespmem:$0x1B000] =	vst v63  }
0xa7: {  	s20 =	simm.s32 $0xE800  }
0xa8: {  	[tilespmem:s20], [sflag:$0x1] =	stream.indirect_vreg.gather [hbm4b:s10+s5], $0x80, v4, vm0, $0xb8;
	[tilespmem:$0x1B000] =	vst v63  }
0xa9: {  	v4 =	vld [tilespmem:s7+$0x1000];
	_ =	sdelay $0x4  }
0xaa: {  	v5 =	vshrl.u32 v4, $0x3  }
0xab: {  	v5 =	vmul.u32 $0x30, v5  }
0xac: {  	v4 =	vand.u32 $0x7, v4  }
0xad: {  	v4 =	vor.u32 v4, v5  }
0xae: {  	v5 =	vperm.xlane v4, v1;
	_ =	sdelay $0x1  }
0xaf: {  	v5 =	vadd.s32 v2, v5;
	_ =	sdelay $0x3  }
0xb0: {  	v4 =	vperm.xlane v4, v3  }
0xb1: {  	[tilespmem:s22], [sflag:$0x2] =	stream.indirect_vreg.gather [hbm4b:s1+s5], $0x80, v5, vm0, $0xb8;
	[tilespmem:$0x1B000] =	vst v63  }
0xb2: {  	s21 =	simm.s32 $0xF800;
	v4 =	vadd.s32 v2, v4  }
0xb3: {  	[tilespmem:s21], [sflag:$0x2] =	stream.indirect_vreg.gather [hbm4b:s9+s5], $0x80, v5, vm0, $0xb8;
	[tilespmem:$0x1B000] =	vst v63  }
0xb4: {  	s23 =	simm.s32 $0x10000  }
0xb5: {  	[tilespmem:s23], [sflag:$0x2] =	stream.indirect_vreg.gather [hbm4b:s10+s5], $0x80, v5, vm0, $0xb8;
	[tilespmem:$0x1B000] =	vst v63  }
0xb6: {  	s24 =	simm.s32 $0x10800  }
0xb7: {  	[tilespmem:s24], [sflag:$0x2] =	stream.indirect_vreg.gather [hbm4b:s1+s5], $0x80, v4, vm0, $0xb8;
	[tilespmem:$0x1B000] =	vst v63  }
0xb8: {  	s4 =	simm.s32 $0x11000  }
0xb9: {  	[tilespmem:s4], [sflag:$0x2] =	stream.indirect_vreg.gather [hbm4b:s9+s5], $0x80, v4, vm0, $0xb8;
	[tilespmem:$0x1B000] =	vst v63  }
0xba: {  	s17 =	simm.s32 $0x11800  }
0xbb: {  	[tilespmem:s17], [sflag:$0x2] =	stream.indirect_vreg.gather [hbm4b:s10+s5], $0x80, v4, vm0, $0xb8;
	[tilespmem:$0x1B000] =	vst v63  }
0xbc: {  	v4 =	vld [tilespmem:s7+$0x1010];
	_ =	sdelay $0x4  }
0xbd: {  	v5 =	vshrl.u32 v4, $0x3  }
0xbe: {  	v5 =	vmul.u32 $0x30, v5  }
0xbf: {  	v4 =	vand.u32 $0x7, v4  }
0xc0: {  	v4 =	vor.u32 v4, v5  }
0xc1: {  	v5 =	vperm.xlane v4, v1;
	_ =	sdelay $0x1  }
0xc2: {  	v5 =	vadd.s32 v2, v5;
	_ =	sdelay $0x3  }
0xc3: {  	s18 =	simm.s32 $0x12000;
	v4 =	vperm.xlane v4, v3  }
0xc4: {  	[tilespmem:s18], [sflag:$0x2] =	stream.indirect_vreg.gather [hbm4b:s1+s5], $0x80, v5, vm0, $0xb8;
	[tilespmem:$0x1B000] =	vst v63  }
0xc5: {  	s19 =	simm.s32 $0x12800;
	v4 =	vadd.s32 v2, v4  }
0xc6: {  	[tilespmem:s19], [sflag:$0x2] =	stream.indirect_vreg.gather [hbm4b:s9+s5], $0x80, v5, vm0, $0xb8;
	[tilespmem:$0x1B000] =	vst v63  }
0xc7: {  	s20 =	simm.s32 $0x13000  }
0xc8: {  	[tilespmem:s20], [sflag:$0x2] =	stream.indirect_vreg.gather [hbm4b:s10+s5], $0x80, v5, vm0, $0xb8;
	[tilespmem:$0x1B000] =	vst v63  }
0xc9: {  	s21 =	simm.s32 $0x13800  }
0xca: {  	[tilespmem:s21], [sflag:$0x2] =	stream.indirect_vreg.gather [hbm4b:s1+s5], $0x80, v4, vm0, $0xb8;
	[tilespmem:$0x1B000] =	vst v63  }
0xcb: {  	s23 =	simm.s32 $0x14000  }
0xcc: {  	[tilespmem:s23], [sflag:$0x2] =	stream.indirect_vreg.gather [hbm4b:s9+s5], $0x80, v4, vm0, $0xb8;
	[tilespmem:$0x1B000] =	vst v63  }
0xcd: {  	s24 =	simm.s32 $0x14800  }
0xce: {  	[tilespmem:s24], [sflag:$0x2] =	stream.indirect_vreg.gather [hbm4b:s10+s5], $0x80, v4, vm0, $0xb8;
	[tilespmem:$0x1B000] =	vst v63  }
0xcf: {  	v4 =	vld [tilespmem:s7+$0x1020];
	_ =	sdelay $0x4  }
0xd0: {  	v5 =	vshrl.u32 v4, $0x3  }
0xd1: {  	v5 =	vmul.u32 $0x30, v5  }
0xd2: {  	v4 =	vand.u32 $0x7, v4  }
0xd3: {  	v4 =	vor.u32 v4, v5  }
0xd4: {  	v5 =	vperm.xlane v4, v1;
	_ =	sdelay $0x1  }
0xd5: {  	v5 =	vadd.s32 v2, v5;
	_ =	sdelay $0x3  }
0xd6: {  	s4 =	simm.s32 $0x15000;
	v4 =	vperm.xlane v4, v3  }
0xd7: {  	[tilespmem:s4], [sflag:$0x2] =	stream.indirect_vreg.gather [hbm4b:s1+s5], $0x80, v5, vm0, $0xb8;
	[tilespmem:$0x1B000] =	vst v63  }
0xd8: {  	s17 =	simm.s32 $0x15800;
	v4 =	vadd.s32 v2, v4  }
0xd9: {  	[tilespmem:s17], [sflag:$0x2] =	stream.indirect_vreg.gather [hbm4b:s9+s5], $0x80, v5, vm0, $0xb8;
	[tilespmem:$0x1B000] =	vst v63  }
0xda: {  	s18 =	simm.s32 $0x16000  }
0xdb: {  	[tilespmem:s18], [sflag:$0x2] =	stream.indirect_vreg.gather [hbm4b:s10+s5], $0x80, v5, vm0, $0xb8;
	[tilespmem:$0x1B000] =	vst v63  }
0xdc: {  	s19 =	simm.s32 $0x16800  }
0xdd: {  	[tilespmem:s19], [sflag:$0x2] =	stream.indirect_vreg.gather [hbm4b:s1+s5], $0x80, v4, vm0, $0xb8;
	[tilespmem:$0x1B000] =	vst v63  }
0xde: {  	s20 =	simm.s32 $0x17000  }
0xdf: {  	[tilespmem:s20], [sflag:$0x2] =	stream.indirect_vreg.gather [hbm4b:s9+s5], $0x80, v4, vm0, $0xb8;
	[tilespmem:$0x1B000] =	vst v63  }
0xe0: {  	s21 =	simm.s32 $0x17800  }
0xe1: {  	[tilespmem:s21], [sflag:$0x2] =	stream.indirect_vreg.gather [hbm4b:s10+s5], $0x80, v4, vm0, $0xb8;
	[tilespmem:$0x1B000] =	vst v63  }
0xe2: {  	v4 =	vld [tilespmem:s7+$0x1030];
	_ =	sdelay $0x4  }
0xe3: {  	v5 =	vshrl.u32 v4, $0x3  }
0xe4: {  	v5 =	vmul.u32 $0x30, v5  }
0xe5: {  	v4 =	vand.u32 $0x7, v4  }
0xe6: {  	v4 =	vor.u32 v4, v5  }
0xe7: {  	v5 =	vperm.xlane v4, v1;
	_ =	sdelay $0x1  }
0xe8: {  	v5 =	vadd.s32 v2, v5;
	_ =	sdelay $0x3  }
0xe9: {  	s23 =	simm.s32 $0x18000;
	v4 =	vperm.xlane v4, v3  }
0xea: {  	[tilespmem:s23], [sflag:$0x2] =	stream.indirect_vreg.gather [hbm4b:s1+s5], $0x80, v5, vm0, $0xb8;
	[tilespmem:$0x1B000] =	vst v63  }
0xeb: {  	s24 =	simm.s32 $0x18800;
	v4 =	vadd.s32 v2, v4  }
0xec: {  	[tilespmem:s24], [sflag:$0x2] =	stream.indirect_vreg.gather [hbm4b:s9+s5], $0x80, v5, vm0, $0xb8;
	[tilespmem:$0x1B000] =	vst v63  }
0xed: {  	_ = 	snop  }
0xee: {  	[tilespmem:s25], [sflag:$0x2] =	stream.indirect_vreg.gather [hbm4b:s10+s5], $0x80, v5, vm0, $0xb8;
	[tilespmem:$0x1B000] =	vst v63  }
0xef: {  	_ = 	snop  }
0xf0: {  	[tilespmem:s26], [sflag:$0x2] =	stream.indirect_vreg.gather [hbm4b:s1+s5], $0x80, v4, vm0, $0xb8;
	[tilespmem:$0x1B000] =	vst v63  }
.Ltmp4:
0xf1: {  	_ = 	snop;
	(pc) =	sbr.rel @p0 .LBB2_9-.Ltmp4, $4  }
0xf2: {  	_ = 	snop  }
0xf3: {  	[tilespmem:s28], [sflag:$0x2] =	stream.indirect_vreg.gather [hbm4b:s9+s5], $0x80, v4, vm0, $0xb8;
	[tilespmem:$0x1B000] =	vst v63  }
0xf4: {  	_ = 	snop  }
0xf5: {  	[tilespmem:s29], [sflag:$0x2] =	stream.indirect_vreg.gather [hbm4b:s10+s5], $0x80, v4, vm0, $0xb8;
	[tilespmem:$0x1B000] =	vst v63  }
0xf6: {  	s3 =	rddreg [dreg:$0x2];
	s4 =	simm.s32 $0x800  }
0xf7: {  	[tilespmem:s4], [sflag:$0x3] =	stream.linear.gather [hbm4b:s3+s5], $0x800, $0x38;
	[tilespmem:$0x1B000] =	vst v63  }
0xf8: {  	_ =	swait.ge [sflag:s14], $0x800  }
0xf9: {  	[sflag:s14] =	ssyncset.done $0x0  }
0xfa: {  	s24 =	simm.s32 $0x40;
	[sflag:s14] =	ssyncadd.s32 $0xFFFFF800  }
0xfb: {  	v11 =	vld [tilespmem:s24+$0x30]  }
0xfc: {  	v14 =	vld [tilespmem:s24+$0xFFFFFFD0]  }
0xfd: {  	s3 =	simm.s32 $0x840;
	v4 =	vld [tilespmem:s24+$0xFFFFFFE0]  }
0xfe: {  	v16 =	vld [tilespmem:s3+$0x30]  }
0xff: {  	v8 =	vld [tilespmem:s24+$0xFFFFFFF0]  }
0x100: {  	v6 =	vld [tilespmem:s24+$0x0]  }
0x101: {  	v7 =	vld [tilespmem:s24+$0x10]  }
0x102: {  	v5 =	vld [tilespmem:s24+$0x20]  }
0x103: {  	v9 =	vld [tilespmem:s24+$0xFFFFFFC0]  }
0x104: {  	v12 =	vld [tilespmem:s3+$0xFFFFFFC0]  }
0x105: {  	v17 =	vld [tilespmem:s3+$0xFFFFFFD0]  }
0x106: {  	v15 =	vld [tilespmem:s3+$0xFFFFFFE0]  }
0x107: {  	v13 =	vld [tilespmem:s3+$0xFFFFFFF0]  }
0x108: {  	v10 =	vld [tilespmem:s3+$0x0]  }
0x109: {  	[tilespmem:v11+s30+$0x0] =	vst.idx.msk $0xffff, v16;
	v11 =	vld [tilespmem:s3+$0x10]  }
0x10a: {  	s17 =	simm.s32 $0xC0;
	s4 =	simm.s32 $0x0;
	[tilespmem:v14+s30+$0x0] =	vst.idx.msk $0xffff, v17;
	v14 =	vld [tilespmem:s3+$0x20]  }
.LBB2_7:
0x10b: {  	v16 =	vld [tilespmem:s17+$0x30];
	s4 =	sadd.s32 $0x8, s4;
	[tilespmem:v9+s30+$0x0] =	vst.idx.msk $0xffff, v12  }
0x10c: {  	v17 =	vld [tilespmem:s17+$0xFFFFFFD0];
	p1 =	slt.u32 s4, $0x78;
	[tilespmem:v4+s30+$0x0] =	vst.idx.msk $0xffff, v15  }
0x10d: {  	s3 =	sadd.s32 $0x80, s3;
	v4 =	vld [tilespmem:s17+$0xFFFFFFE0];
	[tilespmem:v8+s30+$0x0] =	vst.idx.msk $0xffff, v13  }
0x10e: {  	v12 =	vld [tilespmem:s3+$0x30];
	[tilespmem:v6+s30+$0x0] =	vst.idx.msk $0xffff, v10  }
0x10f: {  	v8 =	vld [tilespmem:s17+$0xFFFFFFF0];
	[tilespmem:v7+s30+$0x0] =	vst.idx.msk $0xffff, v11  }
0x110: {  	v6 =	vld [tilespmem:s17+$0x0];
	[tilespmem:v5+s30+$0x0] =	vst.idx.msk $0xffff, v14  }
0x111: {  	v7 =	vld [tilespmem:s17+$0x10]  }
0x112: {  	v5 =	vld [tilespmem:s17+$0x20]  }
0x113: {  	v9 =	vld [tilespmem:s17+$0xFFFFFFC0];
	[tilespmem:v16+s30+$0x0] =	vst.idx.msk $0xffff, v12  }
0x114: {  	v12 =	vld [tilespmem:s3+$0xFFFFFFC0]  }
0x115: {  	v14 =	vld [tilespmem:s3+$0xFFFFFFD0]  }
.Ltmp5:
0x116: {  	v15 =	vld [tilespmem:s3+$0xFFFFFFE0];
	(pc) =	sbr.rel @p1 .LBB2_7-.Ltmp5, $4  }
0x117: {  	v13 =	vld [tilespmem:s3+$0xFFFFFFF0]  }
0x118: {  	v10 =	vld [tilespmem:s3+$0x0]  }
0x119: {  	v11 =	vld [tilespmem:s3+$0x10]  }
0x11a: {  	s17 =	sadd.s32 $0x80, s17;
	[tilespmem:v17+s30+$0x0] =	vst.idx.msk $0xffff, v14;
	v14 =	vld [tilespmem:s3+$0x20]  }
.Ltmp6:
0x11b: {  	_ = 	snop;
	(pc) =	sbr.rel .LBB2_8-.Ltmp6, $1  }
0x11c: {  	_ =	sdelay $0x3  }
.LBB2_10:
0x11d: {  	_ =	sfence.sel $0x180000  }
0x11e: {  	[bflag:$0x0] =	sbarrier.arrive $0xFFFF  }
0x11f: {  	_ =	strace $0x90000047  }
0x120: {  	s0 =	stileid.u32;
	[bflag:$0x2] =	sbarrier.arrive $0xFFFF  }
0x121: {  	p0 =	sne.s32 s0, $0x0;
	s0 =	rddreg [dreg:$0x4]  }
0x122: {  	s0 =	sadd.s32 @!p0 $0x100000, s0  }
0x123: {  	[sflag:s0] =	ssyncadd.tile.s32 @!p0 $0x1;
	_ =	shalt  }
.Lfunc_end2:
_tile_overlayer_lowered:
.L_overlay_start_2:
0x124: {  	(tag) =	ssettag $0x2  }
0x125: {  	s0 =	rddreg [dreg:$0x0];
	s2 =	stileid.u32  }
0x126: {  	s1 =	rddreg [dreg:$0x1];
	p0 =	sne.s32 s2, $0x0  }
0x127: {  	s3 =	rddreg [dreg:$0x2];
	[bflag:$0x3] =	sbarrier.arrive $0xFFFF;
	s2 =	simm.s32 @!p0 $0x1C03  }
0x128: {  	[timem:s3], [sflag:s2] =	dma.local @!p0 [hbm:s0], s1  }
0x129: {  	s0 =	simm.s32 @!p0 $0x3  }
0x12a: {  	_ =	swait.ge @!p0 [sflag:s0], s1  }
0x12b: {  	s1 =	ssub.s32 @!p0 $0x0, s1;
	[sflag:s0] =	ssyncset.done @!p0 $0x0  }
0x12c: {  	[sflag:s0] =	ssyncadd.s32 @!p0 s1  }
0x12d: {  	[bflag:$0x3] =	sbarrier.arrive $0xFFFF  }
0x12e: {  	_ =	shalt  }

</sc_bundles>
